<compile_context>
chip_gen: v7x
topology: tpu7x:2x2x1
jax: 0.10.2.dev20260603
libtpu: 0.0.44.dev20260713+nightly
codegen_flags: <defaults>
</compile_context>

<pallas_src>
import functools

import jax
import jax.numpy as jnp
from jax import lax
from jax.experimental import pallas as pl
from jax.experimental.pallas import tpu as pltpu
from jax.experimental.pallas import tpu_sc as plsc

_V = 100000
_E = 64
_B = 1024
_CTX = 20

_NC = 2
_NS = 16
_NW = _NC * _NS
_ROWS_W = _B * _CTX // _NW
_CHUNK = 128
_NCHUNK = _ROWS_W // _CHUNK
_B_W = _B // _NW


def _sc_gather_sum(idx3, table):
    mesh = plsc.VectorSubcoreMesh(core_axis_name="c", subcore_axis_name="s")

    @functools.partial(
        pl.kernel,
        mesh=mesh,
        compiler_params=pltpu.CompilerParams(use_tc_tiling_on_sc=False),
        out_type=jax.ShapeDtypeStruct((_B, _E), jnp.float32),
        scratch_types=[
            pltpu.VMEM((_NCHUNK, _CHUNK), jnp.int32),
            pltpu.VMEM((_ROWS_W, _E), jnp.float32),
            pltpu.VMEM((_B_W, _E), jnp.float32),
            pltpu.SemaphoreType.DMA,
        ],
    )
    def k(idx_hbm, table_hbm, out_hbm, idx_v, rows_v, acc_v, sem):
        wid = lax.axis_index("s") * _NC + lax.axis_index("c")
        pltpu.sync_copy(idx_hbm.at[wid], idx_v)
        copies = [
            pltpu.async_copy(
                table_hbm.at[idx_v.at[c]],
                rows_v.at[pl.ds(c * _CHUNK, _CHUNK)],
                sem,
            )
            for c in range(_NCHUNK)
        ]
        for cp in copies:
            cp.wait()

        def body(bi, carry):
            base = bi * _CTX
            for c in range(_E // 16):
                acc = rows_v[base, pl.ds(c * 16, 16)]
                for j in range(1, _CTX):
                    acc = acc + rows_v[base + j, pl.ds(c * 16, 16)]
                acc_v[bi, pl.ds(c * 16, 16)] = acc
            return carry

        lax.fori_loop(0, _B_W, body, 0)
        pltpu.sync_copy(acc_v, out_hbm.at[pl.ds(wid * _B_W, _B_W)])

    return k(idx3, table)


_TV = 2048
_NV = -(-_V // _TV)
_VP = _NV * _TV
_VR = 64
_NCK = _TV // _VR
_K = _E + 1
_NEG = -1e30


def _tc_body(w_ref, x_ref, o_ref, s_ref):
    i = pl.program_id(0)
    xb = x_ref[...].astype(jnp.bfloat16)

    @pl.when(i == 0)
    def _init():
        s_ref[...] = jnp.zeros((1, _B), jnp.float32)

    def chunk_logits(c):
        wc = w_ref[:, c * _VR:(c + 1) * _VR]
        return lax.dot_general(
            wc, xb, (((0,), (0,)), ((), ())),
            preferred_element_type=jnp.float32)

    @pl.when(i < _NV)
    def _pass1():
        sp = jnp.zeros((8, _B), jnp.float32)
        for c in range(_NCK):
            e = jnp.exp(chunk_logits(c))
            f = ((e[0:8, :] + e[8:16, :]) + (e[16:24, :] + e[24:32, :]))
            g = ((e[32:40, :] + e[40:48, :]) + (e[48:56, :] + e[56:64, :]))
            sp = sp + (f + g)
        s_ref[...] = s_ref[...] + jnp.sum(sp, axis=0, keepdims=True)

    @pl.when(i >= _NV)
    def _pass2():
        lse1 = jnp.log(s_ref[...])
        lse = jnp.broadcast_to(lse1, (_VR, _B))
        for c in range(_NCK):
            o_ref[c * _VR:(c + 1) * _VR, :] = chunk_logits(c) - lse


def _tc_logsoftmax(w_aug, x_aug):
    out_t = pl.pallas_call(
        _tc_body,
        grid=(2 * _NV,),
        in_specs=[
            pl.BlockSpec((_K, _TV), lambda i: (0, lax.rem(i, _NV))),
            pl.BlockSpec((_K, _B), lambda i: (0, 0)),
        ],
        out_specs=pl.BlockSpec((_TV, _B), lambda i: (jnp.maximum(i - _NV, 0), 0)),
        out_shape=jax.ShapeDtypeStruct((_V, _B), jnp.float32),
        scratch_shapes=[
            pltpu.VMEM((1, _B), jnp.float32),
        ],
    )(w_aug, x_aug)
    return out_t.T


def kernel(input_word, table, W, b):
    idx3 = input_word.astype(jnp.int32).reshape(_NW, _NCHUNK, _CHUNK)
    emb = _sc_gather_sum(idx3, table)
    pad = jnp.full((_K, _VP - _V), _NEG, jnp.float32)
    pad = pad * (jnp.arange(_K) == _E).astype(jnp.float32)[:, None]
    w_aug = jnp.concatenate(
        [jnp.concatenate([W.T, b[None, :]], axis=0), pad],
        axis=1).astype(jnp.bfloat16)
    x_aug = jnp.concatenate(
        [emb.T, jnp.ones((1, _B), jnp.float32)], axis=0)
    return _tc_logsoftmax(w_aug, x_aug)

# --- scband reference (transcript-rebuilt; emitter-appended) ---
"""Pipeline reference for scband-cbowmodel-8383776162348 (READ-ONLY COPY).

The authoritative reference and input builder live on the scoring server;
editing this copy changes nothing except your own understanding.
"""

import jax, jax.numpy as jnp
import numpy as np

VOCAB = 100000
EMBED = 64
BATCH = 1024
CTX = 20

def setup_inputs(seed: int = 0) -> dict:
    key = jax.random.key(seed)
    k1, k2, k3, k4 = jax.random.split(key, 4)
    input_word = jax.random.randint(k1, (BATCH, CTX), 0, VOCAB, dtype=jnp.int64 if jax.config.jax_enable_x64 else jnp.int32)
    table = jax.random.normal(k2, (VOCAB, EMBED), dtype=jnp.float32)
    # nn.Linear(embedding_size, vocab_size): weight [vocab, embed], bias [vocab]
    bound = 1.0 / np.sqrt(EMBED)
    W = jax.random.uniform(k3, (VOCAB, EMBED), minval=-bound, maxval=bound, dtype=jnp.float32)
    b = jax.random.uniform(k4, (VOCAB,), minval=-bound, maxval=bound, dtype=jnp.float32)
    return {"input_word": input_word, "table": table, "W": W, "b": b}

def reference(input_word, table, W, b):
    # embedding lookup: gather rows
    embeds = jnp.take(table, input_word, axis=0)          # [B, CTX, E]
    embeds = jnp.sum(embeds, axis=1)                      # [B, E]
    out = embeds @ W.T + b                                # [B, V]
    log_probs = jax.nn.log_softmax(out, axis=1)           # [B, V]
    return log_probs

if __name__ == "__main__":
    import jax
    _d = setup_inputs()
    print(jax.jit(kernel)(*tuple(_d.values())))

</pallas_src>

<mosaic_0001>
#map = affine_map<(d0, d1) -> (0, 0, 0)>
#map1 = affine_map<(d0, d1) -> (0, 0)>
module attributes {stable_mosaic.version = 14 : i64} {
  func.func @k(%arg0: i32, %arg1: i32, %arg2: memref<32x5x128xi32, #tpu.memory_space<hbm>>, %arg3: memref<100000x64xf32, #tpu.memory_space<hbm>>, %arg4: memref<1024x64xf32, #tpu.memory_space<hbm>>, %arg5: memref<5x128xi32, #tpu.memory_space<vmem>>, %arg6: memref<640x64xf32, #tpu.memory_space<vmem>>, %arg7: memref<32x64xf32, #tpu.memory_space<vmem>>, %arg8: memref<!tpu.dma_semaphore, #tpu.memory_space<semaphore_mem>>) attributes {dimension_semantics = [#tpu.dimension_semantics<core_parallel>, #tpu.dimension_semantics<subcore_parallel>], iteration_bounds = array<i64: 2, 16>, scalar_prefetch = 0 : i64, scratch_operands = 4 : i64, tpu.core_type = #tpu.core_type<sc_vector_subcore>, window_params = [{transform_indices = #map}, {transform_indices = #map1}, {transform_indices = #map1}]} {
    %mul3A = arith.constant 2 : i32
    %mul3A_0 = arith.muli %arg1, %mul3A : i32
    %add3A = arith.addi %mul3A_0, %arg0 : i32
    "tpu.region"() ({
      %run_scoped3A = tpu.sem_alloc : memref<!tpu.dma_semaphore, #tpu.memory_space<semaphore_mem>>
      %dma_start3A_106 = arith.constant 0 : i32
      %dma_start3A_107 = arith.constant 0 : i32
      %dma_start3A_108 = tpu.memref_slice %arg2[%add3A, %dma_start3A_106, %dma_start3A_107] : memref<32x5x128xi32, #tpu.memory_space<hbm>> -> memref<1x5x128xi32, #tpu.memory_space<hbm>>
      %dma_start3A_109 = tpu.memref_squeeze %dma_start3A_108 : memref<1x5x128xi32, #tpu.memory_space<hbm>> -> memref<5x128xi32, #tpu.memory_space<hbm>>
      %dma_start3A_110 = arith.constant 0 : i32
      %dma_start3A_111 = arith.constant 0 : i32
      %dma_start3A_112 = tpu.memref_slice %arg2[%add3A, %dma_start3A_110, %dma_start3A_111] : memref<32x5x128xi32, #tpu.memory_space<hbm>> -> memref<1x5x128xi32, #tpu.memory_space<hbm>>
      %dma_start3A_113 = tpu.memref_squeeze %dma_start3A_112 : memref<1x5x128xi32, #tpu.memory_space<hbm>> -> memref<5x128xi32, #tpu.memory_space<hbm>>
      tpu.enqueue_dma source(%dma_start3A_113 : memref<5x128xi32, #tpu.memory_space<hbm>>) target(%arg5 : memref<5x128xi32, #tpu.memory_space<vmem>>) target_semaphore(%run_scoped3A : memref<!tpu.dma_semaphore, #tpu.memory_space<semaphore_mem>>)
      %dma_wait3A_114 = arith.constant 0 : i32
      %dma_wait3A_115 = arith.constant 0 : i32
      %dma_wait3A_116 = tpu.memref_slice %arg2[%add3A, %dma_wait3A_114, %dma_wait3A_115] : memref<32x5x128xi32, #tpu.memory_space<hbm>> -> memref<1x5x128xi32, #tpu.memory_space<hbm>>
      %dma_wait3A_117 = tpu.memref_squeeze %dma_wait3A_116 : memref<1x5x128xi32, #tpu.memory_space<hbm>> -> memref<5x128xi32, #tpu.memory_space<hbm>>
      %dma_wait3A_118 = arith.constant 0 : i32
      %dma_wait3A_119 = arith.constant 0 : i32
      %dma_wait3A_120 = tpu.memref_slice %arg2[%add3A, %dma_wait3A_118, %dma_wait3A_119] : memref<32x5x128xi32, #tpu.memory_space<hbm>> -> memref<1x5x128xi32, #tpu.memory_space<hbm>>
      %dma_wait3A_121 = tpu.memref_squeeze %dma_wait3A_120 : memref<1x5x128xi32, #tpu.memory_space<hbm>> -> memref<5x128xi32, #tpu.memory_space<hbm>>
      tpu.wait_dma2 semaphore(%run_scoped3A : memref<!tpu.dma_semaphore, #tpu.memory_space<semaphore_mem>>) src(%dma_wait3A_121 : memref<5x128xi32, #tpu.memory_space<hbm>>) dst(%arg5 : memref<5x128xi32, #tpu.memory_space<vmem>>)
      tpu.yield
    }) : () -> ()
    %dma_start3A = arith.constant 0 : i32
    %dma_start3A_1 = arith.constant 0 : i32
    %dma_start3A_2 = arith.constant 0 : i32
    %dma_start3A_3 = tpu.memref_slice %arg6[%dma_start3A_1, %dma_start3A_2] : memref<640x64xf32, #tpu.memory_space<vmem>> -> memref<128x64xf32, #tpu.memory_space<vmem>>
    %dma_start3A_4 = arith.constant 0 : i32
    %dma_start3A_5 = tpu.memref_slice %arg5[%dma_start3A, %dma_start3A_4] : memref<5x128xi32, #tpu.memory_space<vmem>> -> memref<1x128xi32, #tpu.memory_space<vmem>>
    %dma_start3A_6 = tpu.memref_squeeze %dma_start3A_5 : memref<1x128xi32, #tpu.memory_space<vmem>> -> memref<128xi32, #tpu.memory_space<vmem>>
    %dma_start3A_7 = arith.constant 0 : i32
    %dma_start3A_8 = arith.constant 0 : i32
    %dma_start3A_9 = tpu.memref_slice %arg3[%dma_start3A_7, %dma_start3A_8] : memref<100000x64xf32, #tpu.memory_space<hbm>> -> memref<100000x64xf32, #tpu.memory_space<hbm>>
    tpu.enqueue_indirect_dma source(%dma_start3A_9 : memref<100000x64xf32, #tpu.memory_space<hbm>>) target(%dma_start3A_3 : memref<128x64xf32, #tpu.memory_space<vmem>>) offsets(%dma_start3A_6 : memref<128xi32, #tpu.memory_space<vmem>>) semaphore(%arg8 : memref<!tpu.dma_semaphore, #tpu.memory_space<semaphore_mem>>)
    %dma_start3A_10 = arith.constant 1 : i32
    %dma_start3A_11 = arith.constant 128 : i32
    %dma_start3A_12 = arith.constant 0 : i32
    %dma_start3A_13 = tpu.memref_slice %arg6[%dma_start3A_11, %dma_start3A_12] : memref<640x64xf32, #tpu.memory_space<vmem>> -> memref<128x64xf32, #tpu.memory_space<vmem>>
    %dma_start3A_14 = arith.constant 0 : i32
    %dma_start3A_15 = tpu.memref_slice %arg5[%dma_start3A_10, %dma_start3A_14] : memref<5x128xi32, #tpu.memory_space<vmem>> -> memref<1x128xi32, #tpu.memory_space<vmem>>
    %dma_start3A_16 = tpu.memref_squeeze %dma_start3A_15 : memref<1x128xi32, #tpu.memory_space<vmem>> -> memref<128xi32, #tpu.memory_space<vmem>>
    %dma_start3A_17 = arith.constant 0 : i32
    %dma_start3A_18 = arith.constant 0 : i32
    %dma_start3A_19 = tpu.memref_slice %arg3[%dma_start3A_17, %dma_start3A_18] : memref<100000x64xf32, #tpu.memory_space<hbm>> -> memref<100000x64xf32, #tpu.memory_space<hbm>>
    tpu.enqueue_indirect_dma source(%dma_start3A_19 : memref<100000x64xf32, #tpu.memory_space<hbm>>) target(%dma_start3A_13 : memref<128x64xf32, #tpu.memory_space<vmem>>) offsets(%dma_start3A_16 : memref<128xi32, #tpu.memory_space<vmem>>) semaphore(%arg8 : memref<!tpu.dma_semaphore, #tpu.memory_space<semaphore_mem>>)
    %dma_start3A_20 = arith.constant 2 : i32
    %dma_start3A_21 = arith.constant 256 : i32
    %dma_start3A_22 = arith.constant 0 : i32
    %dma_start3A_23 = tpu.memref_slice %arg6[%dma_start3A_21, %dma_start3A_22] : memref<640x64xf32, #tpu.memory_space<vmem>> -> memref<128x64xf32, #tpu.memory_space<vmem>>
    %dma_start3A_24 = arith.constant 0 : i32
    %dma_start3A_25 = tpu.memref_slice %arg5[%dma_start3A_20, %dma_start3A_24] : memref<5x128xi32, #tpu.memory_space<vmem>> -> memref<1x128xi32, #tpu.memory_space<vmem>>
    %dma_start3A_26 = tpu.memref_squeeze %dma_start3A_25 : memref<1x128xi32, #tpu.memory_space<vmem>> -> memref<128xi32, #tpu.memory_space<vmem>>
    %dma_start3A_27 = arith.constant 0 : i32
    %dma_start3A_28 = arith.constant 0 : i32
    %dma_start3A_29 = tpu.memref_slice %arg3[%dma_start3A_27, %dma_start3A_28] : memref<100000x64xf32, #tpu.memory_space<hbm>> -> memref<100000x64xf32, #tpu.memory_space<hbm>>
    tpu.enqueue_indirect_dma source(%dma_start3A_29 : memref<100000x64xf32, #tpu.memory_space<hbm>>) target(%dma_start3A_23 : memref<128x64xf32, #tpu.memory_space<vmem>>) offsets(%dma_start3A_26 : memref<128xi32, #tpu.memory_space<vmem>>) semaphore(%arg8 : memref<!tpu.dma_semaphore, #tpu.memory_space<semaphore_mem>>)
    %dma_start3A_30 = arith.constant 3 : i32
    %dma_start3A_31 = arith.constant 384 : i32
    %dma_start3A_32 = arith.constant 0 : i32
    %dma_start3A_33 = tpu.memref_slice %arg6[%dma_start3A_31, %dma_start3A_32] : memref<640x64xf32, #tpu.memory_space<vmem>> -> memref<128x64xf32, #tpu.memory_space<vmem>>
    %dma_start3A_34 = arith.constant 0 : i32
    %dma_start3A_35 = tpu.memref_slice %arg5[%dma_start3A_30, %dma_start3A_34] : memref<5x128xi32, #tpu.memory_space<vmem>> -> memref<1x128xi32, #tpu.memory_space<vmem>>
    %dma_start3A_36 = tpu.memref_squeeze %dma_start3A_35 : memref<1x128xi32, #tpu.memory_space<vmem>> -> memref<128xi32, #tpu.memory_space<vmem>>
    %dma_start3A_37 = arith.constant 0 : i32
    %dma_start3A_38 = arith.constant 0 : i32
    %dma_start3A_39 = tpu.memref_slice %arg3[%dma_start3A_37, %dma_start3A_38] : memref<100000x64xf32, #tpu.memory_space<hbm>> -> memref<100000x64xf32, #tpu.memory_space<hbm>>
    tpu.enqueue_indirect_dma source(%dma_start3A_39 : memref<100000x64xf32, #tpu.memory_space<hbm>>) target(%dma_start3A_33 : memref<128x64xf32, #tpu.memory_space<vmem>>) offsets(%dma_start3A_36 : memref<128xi32, #tpu.memory_space<vmem>>) semaphore(%arg8 : memref<!tpu.dma_semaphore, #tpu.memory_space<semaphore_mem>>)
    %dma_start3A_40 = arith.constant 4 : i32
    %dma_start3A_41 = arith.constant 512 : i32
    %dma_start3A_42 = arith.constant 0 : i32
    %dma_start3A_43 = tpu.memref_slice %arg6[%dma_start3A_41, %dma_start3A_42] : memref<640x64xf32, #tpu.memory_space<vmem>> -> memref<128x64xf32, #tpu.memory_space<vmem>>
    %dma_start3A_44 = arith.constant 0 : i32
    %dma_start3A_45 = tpu.memref_slice %arg5[%dma_start3A_40, %dma_start3A_44] : memref<5x128xi32, #tpu.memory_space<vmem>> -> memref<1x128xi32, #tpu.memory_space<vmem>>
    %dma_start3A_46 = tpu.memref_squeeze %dma_start3A_45 : memref<1x128xi32, #tpu.memory_space<vmem>> -> memref<128xi32, #tpu.memory_space<vmem>>
    %dma_start3A_47 = arith.constant 0 : i32
    %dma_start3A_48 = arith.constant 0 : i32
    %dma_start3A_49 = tpu.memref_slice %arg3[%dma_start3A_47, %dma_start3A_48] : memref<100000x64xf32, #tpu.memory_space<hbm>> -> memref<100000x64xf32, #tpu.memory_space<hbm>>
    tpu.enqueue_indirect_dma source(%dma_start3A_49 : memref<100000x64xf32, #tpu.memory_space<hbm>>) target(%dma_start3A_43 : memref<128x64xf32, #tpu.memory_space<vmem>>) offsets(%dma_start3A_46 : memref<128xi32, #tpu.memory_space<vmem>>) semaphore(%arg8 : memref<!tpu.dma_semaphore, #tpu.memory_space<semaphore_mem>>)
    %dma_wait3A = arith.constant 0 : i32
    %dma_wait3A_50 = arith.constant 0 : i32
    %dma_wait3A_51 = arith.constant 0 : i32
    %dma_wait3A_52 = tpu.memref_slice %arg6[%dma_wait3A_50, %dma_wait3A_51] : memref<640x64xf32, #tpu.memory_space<vmem>> -> memref<128x64xf32, #tpu.memory_space<vmem>>
    %dma_wait3A_53 = arith.constant 0 : i32
    %dma_wait3A_54 = tpu.memref_slice %arg5[%dma_wait3A, %dma_wait3A_53] : memref<5x128xi32, #tpu.memory_space<vmem>> -> memref<1x128xi32, #tpu.memory_space<vmem>>
    %dma_wait3A_55 = tpu.memref_squeeze %dma_wait3A_54 : memref<1x128xi32, #tpu.memory_space<vmem>> -> memref<128xi32, #tpu.memory_space<vmem>>
    %dma_wait3A_56 = arith.constant 0 : i32
    %dma_wait3A_57 = arith.constant 0 : i32
    %dma_wait3A_58 = tpu.memref_slice %arg3[%dma_wait3A_56, %dma_wait3A_57] : memref<100000x64xf32, #tpu.memory_space<hbm>> -> memref<100000x64xf32, #tpu.memory_space<hbm>>
    tpu.wait_indirect_dma semaphore(%arg8 : memref<!tpu.dma_semaphore, #tpu.memory_space<semaphore_mem>>) src(%dma_wait3A_58 : memref<100000x64xf32, #tpu.memory_space<hbm>>) dst(%dma_wait3A_52 : memref<128x64xf32, #tpu.memory_space<vmem>>)
    %dma_wait3A_59 = arith.constant 1 : i32
    %dma_wait3A_60 = arith.constant 128 : i32
    %dma_wait3A_61 = arith.constant 0 : i32
    %dma_wait3A_62 = tpu.memref_slice %arg6[%dma_wait3A_60, %dma_wait3A_61] : memref<640x64xf32, #tpu.memory_space<vmem>> -> memref<128x64xf32, #tpu.memory_space<vmem>>
    %dma_wait3A_63 = arith.constant 0 : i32
    %dma_wait3A_64 = tpu.memref_slice %arg5[%dma_wait3A_59, %dma_wait3A_63] : memref<5x128xi32, #tpu.memory_space<vmem>> -> memref<1x128xi32, #tpu.memory_space<vmem>>
    %dma_wait3A_65 = tpu.memref_squeeze %dma_wait3A_64 : memref<1x128xi32, #tpu.memory_space<vmem>> -> memref<128xi32, #tpu.memory_space<vmem>>
    %dma_wait3A_66 = arith.constant 0 : i32
    %dma_wait3A_67 = arith.constant 0 : i32
    %dma_wait3A_68 = tpu.memref_slice %arg3[%dma_wait3A_66, %dma_wait3A_67] : memref<100000x64xf32, #tpu.memory_space<hbm>> -> memref<100000x64xf32, #tpu.memory_space<hbm>>
    tpu.wait_indirect_dma semaphore(%arg8 : memref<!tpu.dma_semaphore, #tpu.memory_space<semaphore_mem>>) src(%dma_wait3A_68 : memref<100000x64xf32, #tpu.memory_space<hbm>>) dst(%dma_wait3A_62 : memref<128x64xf32, #tpu.memory_space<vmem>>)
    %dma_wait3A_69 = arith.constant 2 : i32
    %dma_wait3A_70 = arith.constant 256 : i32
    %dma_wait3A_71 = arith.constant 0 : i32
    %dma_wait3A_72 = tpu.memref_slice %arg6[%dma_wait3A_70, %dma_wait3A_71] : memref<640x64xf32, #tpu.memory_space<vmem>> -> memref<128x64xf32, #tpu.memory_space<vmem>>
    %dma_wait3A_73 = arith.constant 0 : i32
    %dma_wait3A_74 = tpu.memref_slice %arg5[%dma_wait3A_69, %dma_wait3A_73] : memref<5x128xi32, #tpu.memory_space<vmem>> -> memref<1x128xi32, #tpu.memory_space<vmem>>
    %dma_wait3A_75 = tpu.memref_squeeze %dma_wait3A_74 : memref<1x128xi32, #tpu.memory_space<vmem>> -> memref<128xi32, #tpu.memory_space<vmem>>
    %dma_wait3A_76 = arith.constant 0 : i32
    %dma_wait3A_77 = arith.constant 0 : i32
    %dma_wait3A_78 = tpu.memref_slice %arg3[%dma_wait3A_76, %dma_wait3A_77] : memref<100000x64xf32, #tpu.memory_space<hbm>> -> memref<100000x64xf32, #tpu.memory_space<hbm>>
    tpu.wait_indirect_dma semaphore(%arg8 : memref<!tpu.dma_semaphore, #tpu.memory_space<semaphore_mem>>) src(%dma_wait3A_78 : memref<100000x64xf32, #tpu.memory_space<hbm>>) dst(%dma_wait3A_72 : memref<128x64xf32, #tpu.memory_space<vmem>>)
    %dma_wait3A_79 = arith.constant 3 : i32
    %dma_wait3A_80 = arith.constant 384 : i32
    %dma_wait3A_81 = arith.constant 0 : i32
    %dma_wait3A_82 = tpu.memref_slice %arg6[%dma_wait3A_80, %dma_wait3A_81] : memref<640x64xf32, #tpu.memory_space<vmem>> -> memref<128x64xf32, #tpu.memory_space<vmem>>
    %dma_wait3A_83 = arith.constant 0 : i32
    %dma_wait3A_84 = tpu.memref_slice %arg5[%dma_wait3A_79, %dma_wait3A_83] : memref<5x128xi32, #tpu.memory_space<vmem>> -> memref<1x128xi32, #tpu.memory_space<vmem>>
    %dma_wait3A_85 = tpu.memref_squeeze %dma_wait3A_84 : memref<1x128xi32, #tpu.memory_space<vmem>> -> memref<128xi32, #tpu.memory_space<vmem>>
    %dma_wait3A_86 = arith.constant 0 : i32
    %dma_wait3A_87 = arith.constant 0 : i32
    %dma_wait3A_88 = tpu.memref_slice %arg3[%dma_wait3A_86, %dma_wait3A_87] : memref<100000x64xf32, #tpu.memory_space<hbm>> -> memref<100000x64xf32, #tpu.memory_space<hbm>>
    tpu.wait_indirect_dma semaphore(%arg8 : memref<!tpu.dma_semaphore, #tpu.memory_space<semaphore_mem>>) src(%dma_wait3A_88 : memref<100000x64xf32, #tpu.memory_space<hbm>>) dst(%dma_wait3A_82 : memref<128x64xf32, #tpu.memory_space<vmem>>)
    %dma_wait3A_89 = arith.constant 4 : i32
    %dma_wait3A_90 = arith.constant 512 : i32
    %dma_wait3A_91 = arith.constant 0 : i32
    %dma_wait3A_92 = tpu.memref_slice %arg6[%dma_wait3A_90, %dma_wait3A_91] : memref<640x64xf32, #tpu.memory_space<vmem>> -> memref<128x64xf32, #tpu.memory_space<vmem>>
    %dma_wait3A_93 = arith.constant 0 : i32
    %dma_wait3A_94 = tpu.memref_slice %arg5[%dma_wait3A_89, %dma_wait3A_93] : memref<5x128xi32, #tpu.memory_space<vmem>> -> memref<1x128xi32, #tpu.memory_space<vmem>>
    %dma_wait3A_95 = tpu.memref_squeeze %dma_wait3A_94 : memref<1x128xi32, #tpu.memory_space<vmem>> -> memref<128xi32, #tpu.memory_space<vmem>>
    %dma_wait3A_96 = arith.constant 0 : i32
    %dma_wait3A_97 = arith.constant 0 : i32
    %dma_wait3A_98 = tpu.memref_slice %arg3[%dma_wait3A_96, %dma_wait3A_97] : memref<100000x64xf32, #tpu.memory_space<hbm>> -> memref<100000x64xf32, #tpu.memory_space<hbm>>
    tpu.wait_indirect_dma semaphore(%arg8 : memref<!tpu.dma_semaphore, #tpu.memory_space<semaphore_mem>>) src(%dma_wait3A_98 : memref<100000x64xf32, #tpu.memory_space<hbm>>) dst(%dma_wait3A_92 : memref<128x64xf32, #tpu.memory_space<vmem>>)
    %scan3A = arith.constant 0 : i32
    %scan3A_99 = arith.constant 0 : i32
    %scan3A_100 = arith.constant 32 : i32
    %scan3A_101 = arith.addi %scan3A_99, %scan3A_100 : i32
    %scan3A_102 = arith.constant 1 : i32
    scf.for %scan3A_106 = %scan3A_99 to %scan3A_101 step %scan3A_102  : i32 {
      %mul3A_107 = arith.constant 20 : i32
      %mul3A_108 = arith.muli %scan3A_106, %mul3A_107 : i32
      %get3A = arith.index_cast %mul3A_108 : i32 to index
      %get3A_109 = arith.constant 0 : index
      %get3A_110 = tpu.vector_load %arg6[%get3A, %get3A_109] {strides = array<i32>} : memref<640x64xf32, #tpu.memory_space<vmem>>, vector<1x16xf32>,
      %get3A_111 = vector.shape_cast %get3A_110 : vector<1x16xf32> to vector<16xf32>
      %add3A_112 = arith.constant 1 : i32
      %add3A_113 = arith.addi %mul3A_108, %add3A_112 : i32
      %get3A_114 = arith.index_cast %add3A_113 : i32 to index
      %get3A_115 = arith.constant 0 : index
      %get3A_116 = tpu.vector_load %arg6[%get3A_114, %get3A_115] {strides = array<i32>} : memref<640x64xf32, #tpu.memory_space<vmem>>, vector<1x16xf32>,
      %get3A_117 = vector.shape_cast %get3A_116 : vector<1x16xf32> to vector<16xf32>
      %add3A_118 = arith.addf %get3A_111, %get3A_117 : vector<16xf32>
      %add3A_119 = arith.constant 2 : i32
      %add3A_120 = arith.addi %mul3A_108, %add3A_119 : i32
      %get3A_121 = arith.index_cast %add3A_120 : i32 to index
      %get3A_122 = arith.constant 0 : index
      %get3A_123 = tpu.vector_load %arg6[%get3A_121, %get3A_122] {strides = array<i32>} : memref<640x64xf32, #tpu.memory_space<vmem>>, vector<1x16xf32>,
      %get3A_124 = vector.shape_cast %get3A_123 : vector<1x16xf32> to vector<16xf32>
      %add3A_125 = arith.addf %add3A_118, %get3A_124 : vector<16xf32>
      %add3A_126 = arith.constant 3 : i32
      %add3A_127 = arith.addi %mul3A_108, %add3A_126 : i32
      %get3A_128 = arith.index_cast %add3A_127 : i32 to index
      %get3A_129 = arith.constant 0 : index
      %get3A_130 = tpu.vector_load %arg6[%get3A_128, %get3A_129] {strides = array<i32>} : memref<640x64xf32, #tpu.memory_space<vmem>>, vector<1x16xf32>,
      %get3A_131 = vector.shape_cast %get3A_130 : vector<1x16xf32> to vector<16xf32>
      %add3A_132 = arith.addf %add3A_125, %get3A_131 : vector<16xf32>
      %add3A_133 = arith.constant 4 : i32
      %add3A_134 = arith.addi %mul3A_108, %add3A_133 : i32
      %get3A_135 = arith.index_cast %add3A_134 : i32 to index
      %get3A_136 = arith.constant 0 : index
      %get3A_137 = tpu.vector_load %arg6[%get3A_135, %get3A_136] {strides = array<i32>} : memref<640x64xf32, #tpu.memory_space<vmem>>, vector<1x16xf32>,
      %get3A_138 = vector.shape_cast %get3A_137 : vector<1x16xf32> to vector<16xf32>
      %add3A_139 = arith.addf %add3A_132, %get3A_138 : vector<16xf32>
      %add3A_140 = arith.constant 5 : i32
      %add3A_141 = arith.addi %mul3A_108, %add3A_140 : i32
      %get3A_142 = arith.index_cast %add3A_141 : i32 to index
      %get3A_143 = arith.constant 0 : index
      %get3A_144 = tpu.vector_load %arg6[%get3A_142, %get3A_143] {strides = array<i32>} : memref<640x64xf32, #tpu.memory_space<vmem>>, vector<1x16xf32>,
      %get3A_145 = vector.shape_cast %get3A_144 : vector<1x16xf32> to vector<16xf32>
      %add3A_146 = arith.addf %add3A_139, %get3A_145 : vector<16xf32>
      %add3A_147 = arith.constant 6 : i32
      %add3A_148 = arith.addi %mul3A_108, %add3A_147 : i32
      %get3A_149 = arith.index_cast %add3A_148 : i32 to index
      %get3A_150 = arith.constant 0 : index
      %get3A_151 = tpu.vector_load %arg6[%get3A_149, %get3A_150] {strides = array<i32>} : memref<640x64xf32, #tpu.memory_space<vmem>>, vector<1x16xf32>,
      %get3A_152 = vector.shape_cast %get3A_151 : vector<1x16xf32> to vector<16xf32>
      %add3A_153 = arith.addf %add3A_146, %get3A_152 : vector<16xf32>
      %add3A_154 = arith.constant 7 : i32
      %add3A_155 = arith.addi %mul3A_108, %add3A_154 : i32
      %get3A_156 = arith.index_cast %add3A_155 : i32 to index
      %get3A_157 = arith.constant 0 : index
      %get3A_158 = tpu.vector_load %arg6[%get3A_156, %get3A_157] {strides = array<i32>} : memref<640x64xf32, #tpu.memory_space<vmem>>, vector<1x16xf32>,
      %get3A_159 = vector.shape_cast %get3A_158 : vector<1x16xf32> to vector<16xf32>
      %add3A_160 = arith.addf %add3A_153, %get3A_159 : vector<16xf32>
      %add3A_161 = arith.constant 8 : i32
      %add3A_162 = arith.addi %mul3A_108, %add3A_161 : i32
      %get3A_163 = arith.index_cast %add3A_162 : i32 to index
      %get3A_164 = arith.constant 0 : index
      %get3A_165 = tpu.vector_load %arg6[%get3A_163, %get3A_164] {strides = array<i32>} : memref<640x64xf32, #tpu.memory_space<vmem>>, vector<1x16xf32>,
      %get3A_166 = vector.shape_cast %get3A_165 : vector<1x16xf32> to vector<16xf32>
      %add3A_167 = arith.addf %add3A_160, %get3A_166 : vector<16xf32>
      %add3A_168 = arith.constant 9 : i32
      %add3A_169 = arith.addi %mul3A_108, %add3A_168 : i32
      %get3A_170 = arith.index_cast %add3A_169 : i32 to index
      %get3A_171 = arith.constant 0 : index
      %get3A_172 = tpu.vector_load %arg6[%get3A_170, %get3A_171] {strides = array<i32>} : memref<640x64xf32, #tpu.memory_space<vmem>>, vector<1x16xf32>,
      %get3A_173 = vector.shape_cast %get3A_172 : vector<1x16xf32> to vector<16xf32>
      %add3A_174 = arith.addf %add3A_167, %get3A_173 : vector<16xf32>
      %add3A_175 = arith.constant 10 : i32
      %add3A_176 = arith.addi %mul3A_108, %add3A_175 : i32
      %get3A_177 = arith.index_cast %add3A_176 : i32 to index
      %get3A_178 = arith.constant 0 : index
      %get3A_179 = tpu.vector_load %arg6[%get3A_177, %get3A_178] {strides = array<i32>} : memref<640x64xf32, #tpu.memory_space<vmem>>, vector<1x16xf32>,
      %get3A_180 = vector.shape_cast %get3A_179 : vector<1x16xf32> to vector<16xf32>
      %add3A_181 = arith.addf %add3A_174, %get3A_180 : vector<16xf32>
      %add3A_182 = arith.constant 11 : i32
      %add3A_183 = arith.addi %mul3A_108, %add3A_182 : i32
      %get3A_184 = arith.index_cast %add3A_183 : i32 to index
      %get3A_185 = arith.constant 0 : index
      %get3A_186 = tpu.vector_load %arg6[%get3A_184, %get3A_185] {strides = array<i32>} : memref<640x64xf32, #tpu.memory_space<vmem>>, vector<1x16xf32>,
      %get3A_187 = vector.shape_cast %get3A_186 : vector<1x16xf32> to vector<16xf32>
      %add3A_188 = arith.addf %add3A_181, %get3A_187 : vector<16xf32>
      %add3A_189 = arith.constant 12 : i32
      %add3A_190 = arith.addi %mul3A_108, %add3A_189 : i32
      %get3A_191 = arith.index_cast %add3A_190 : i32 to index
      %get3A_192 = arith.constant 0 : index
      %get3A_193 = tpu.vector_load %arg6[%get3A_191, %get3A_192] {strides = array<i32>} : memref<640x64xf32, #tpu.memory_space<vmem>>, vector<1x16xf32>,
      %get3A_194 = vector.shape_cast %get3A_193 : vector<1x16xf32> to vector<16xf32>
      %add3A_195 = arith.addf %add3A_188, %get3A_194 : vector<16xf32>
      %add3A_196 = arith.constant 13 : i32
      %add3A_197 = arith.addi %mul3A_108, %add3A_196 : i32
      %get3A_198 = arith.index_cast %add3A_197 : i32 to index
      %get3A_199 = arith.constant 0 : index
      %get3A_200 = tpu.vector_load %arg6[%get3A_198, %get3A_199] {strides = array<i32>} : memref<640x64xf32, #tpu.memory_space<vmem>>, vector<1x16xf32>,
      %get3A_201 = vector.shape_cast %get3A_200 : vector<1x16xf32> to vector<16xf32>
      %add3A_202 = arith.addf %add3A_195, %get3A_201 : vector<16xf32>
      %add3A_203 = arith.constant 14 : i32
      %add3A_204 = arith.addi %mul3A_108, %add3A_203 : i32
      %get3A_205 = arith.index_cast %add3A_204 : i32 to index
      %get3A_206 = arith.constant 0 : index
      %get3A_207 = tpu.vector_load %arg6[%get3A_205, %get3A_206] {strides = array<i32>} : memref<640x64xf32, #tpu.memory_space<vmem>>, vector<1x16xf32>,
      %get3A_208 = vector.shape_cast %get3A_207 : vector<1x16xf32> to vector<16xf32>
      %add3A_209 = arith.addf %add3A_202, %get3A_208 : vector<16xf32>
      %add3A_210 = arith.constant 15 : i32
      %add3A_211 = arith.addi %mul3A_108, %add3A_210 : i32
      %get3A_212 = arith.index_cast %add3A_211 : i32 to index
      %get3A_213 = arith.constant 0 : index
      %get3A_214 = tpu.vector_load %arg6[%get3A_212, %get3A_213] {strides = array<i32>} : memref<640x64xf32, #tpu.memory_space<vmem>>, vector<1x16xf32>,
      %get3A_215 = vector.shape_cast %get3A_214 : vector<1x16xf32> to vector<16xf32>
      %add3A_216 = arith.addf %add3A_209, %get3A_215 : vector<16xf32>
      %add3A_217 = arith.constant 16 : i32
      %add3A_218 = arith.addi %mul3A_108, %add3A_217 : i32
      %get3A_219 = arith.index_cast %add3A_218 : i32 to index
      %get3A_220 = arith.constant 0 : index
      %get3A_221 = tpu.vector_load %arg6[%get3A_219, %get3A_220] {strides = array<i32>} : memref<640x64xf32, #tpu.memory_space<vmem>>, vector<1x16xf32>,
      %get3A_222 = vector.shape_cast %get3A_221 : vector<1x16xf32> to vector<16xf32>
      %add3A_223 = arith.addf %add3A_216, %get3A_222 : vector<16xf32>
      %add3A_224 = arith.constant 17 : i32
      %add3A_225 = arith.addi %mul3A_108, %add3A_224 : i32
      %get3A_226 = arith.index_cast %add3A_225 : i32 to index
      %get3A_227 = arith.constant 0 : index
      %get3A_228 = tpu.vector_load %arg6[%get3A_226, %get3A_227] {strides = array<i32>} : memref<640x64xf32, #tpu.memory_space<vmem>>, vector<1x16xf32>,
      %get3A_229 = vector.shape_cast %get3A_228 : vector<1x16xf32> to vector<16xf32>
      %add3A_230 = arith.addf %add3A_223, %get3A_229 : vector<16xf32>
      %add3A_231 = arith.constant 18 : i32
      %add3A_232 = arith.addi %mul3A_108, %add3A_231 : i32
      %get3A_233 = arith.index_cast %add3A_232 : i32 to index
      %get3A_234 = arith.constant 0 : index
      %get3A_235 = tpu.vector_load %arg6[%get3A_233, %get3A_234] {strides = array<i32>} : memref<640x64xf32, #tpu.memory_space<vmem>>, vector<1x16xf32>,
      %get3A_236 = vector.shape_cast %get3A_235 : vector<1x16xf32> to vector<16xf32>
      %add3A_237 = arith.addf %add3A_230, %get3A_236 : vector<16xf32>
      %add3A_238 = arith.constant 19 : i32
      %add3A_239 = arith.addi %mul3A_108, %add3A_238 : i32
      %get3A_240 = arith.index_cast %add3A_239 : i32 to index
      %get3A_241 = arith.constant 0 : index
      %get3A_242 = tpu.vector_load %arg6[%get3A_240, %get3A_241] {strides = array<i32>} : memref<640x64xf32, #tpu.memory_space<vmem>>, vector<1x16xf32>,
      %get3A_243 = vector.shape_cast %get3A_242 : vector<1x16xf32> to vector<16xf32>
      %add3A_244 = arith.addf %add3A_237, %get3A_243 : vector<16xf32>
      %swap3A = arith.index_cast %scan3A_106 : i32 to index
      %swap3A_245 = arith.constant 0 : index
      %swap3A_246 = tpu.vector_load %arg7[%swap3A, %swap3A_245] {strides = array<i32>} : memref<32x64xf32, #tpu.memory_space<vmem>>, vector<1x16xf32>,
      %swap3A_247 = vector.shape_cast %swap3A_246 : vector<1x16xf32> to vector<16xf32>
      %swap3A_248 = vector.shape_cast %add3A_244 : vector<16xf32> to vector<1x16xf32>
      tpu.vector_store %arg7[%swap3A, %swap3A_245], %swap3A_248 {strides = array<i32>} : memref<32x64xf32, #tpu.memory_space<vmem>>, vector<1x16xf32>,
      %get3A_249 = arith.index_cast %mul3A_108 : i32 to index
      %get3A_250 = arith.constant 16 : index
      %get3A_251 = tpu.vector_load %arg6[%get3A_249, %get3A_250] {strides = array<i32>} : memref<640x64xf32, #tpu.memory_space<vmem>>, vector<1x16xf32>,
      %get3A_252 = vector.shape_cast %get3A_251 : vector<1x16xf32> to vector<16xf32>
      %add3A_253 = arith.constant 1 : i32
      %add3A_254 = arith.addi %mul3A_108, %add3A_253 : i32
      %get3A_255 = arith.index_cast %add3A_254 : i32 to index
      %get3A_256 = arith.constant 16 : index
      %get3A_257 = tpu.vector_load %arg6[%get3A_255, %get3A_256] {strides = array<i32>} : memref<640x64xf32, #tpu.memory_space<vmem>>, vector<1x16xf32>,
      %get3A_258 = vector.shape_cast %get3A_257 : vector<1x16xf32> to vector<16xf32>
      %add3A_259 = arith.addf %get3A_252, %get3A_258 : vector<16xf32>
      %add3A_260 = arith.constant 2 : i32
      %add3A_261 = arith.addi %mul3A_108, %add3A_260 : i32
      %get3A_262 = arith.index_cast %add3A_261 : i32 to index
      %get3A_263 = arith.constant 16 : index
      %get3A_264 = tpu.vector_load %arg6[%get3A_262, %get3A_263] {strides = array<i32>} : memref<640x64xf32, #tpu.memory_space<vmem>>, vector<1x16xf32>,
      %get3A_265 = vector.shape_cast %get3A_264 : vector<1x16xf32> to vector<16xf32>
      %add3A_266 = arith.addf %add3A_259, %get3A_265 : vector<16xf32>
      %add3A_267 = arith.constant 3 : i32
      %add3A_268 = arith.addi %mul3A_108, %add3A_267 : i32
      %get3A_269 = arith.index_cast %add3A_268 : i32 to index
      %get3A_270 = arith.constant 16 : index
      %get3A_271 = tpu.vector_load %arg6[%get3A_269, %get3A_270] {strides = array<i32>} : memref<640x64xf32, #tpu.memory_space<vmem>>, vector<1x16xf32>,
      %get3A_272 = vector.shape_cast %get3A_271 : vector<1x16xf32> to vector<16xf32>
      %add3A_273 = arith.addf %add3A_266, %get3A_272 : vector<16xf32>
      %add3A_274 = arith.constant 4 : i32
      %add3A_275 = arith.addi %mul3A_108, %add3A_274 : i32
      %get3A_276 = arith.index_cast %add3A_275 : i32 to index
      %get3A_277 = arith.constant 16 : index
      %get3A_278 = tpu.vector_load %arg6[%get3A_276, %get3A_277] {strides = array<i32>} : memref<640x64xf32, #tpu.memory_space<vmem>>, vector<1x16xf32>,
      %get3A_279 = vector.shape_cast %get3A_278 : vector<1x16xf32> to vector<16xf32>
      %add3A_280 = arith.addf %add3A_273, %get3A_279 : vector<16xf32>
      %add3A_281 = arith.constant 5 : i32
      %add3A_282 = arith.addi %mul3A_108, %add3A_281 : i32
      %get3A_283 = arith.index_cast %add3A_282 : i32 to index
      %get3A_284 = arith.constant 16 : index
      %get3A_285 = tpu.vector_load %arg6[%get3A_283, %get3A_284] {strides = array<i32>} : memref<640x64xf32, #tpu.memory_space<vmem>>, vector<1x16xf32>,
      %get3A_286 = vector.shape_cast %get3A_285 : vector<1x16xf32> to vector<16xf32>
      %add3A_287 = arith.addf %add3A_280, %get3A_286 : vector<16xf32>
      %add3A_288 = arith.constant 6 : i32
      %add3A_289 = arith.addi %mul3A_108, %add3A_288 : i32
      %get3A_290 = arith.index_cast %add3A_289 : i32 to index
      %get3A_291 = arith.constant 16 : index
      %get3A_292 = tpu.vector_load %arg6[%get3A_290, %get3A_291] {strides = array<i32>} : memref<640x64xf32, #tpu.memory_space<vmem>>, vector<1x16xf32>,
      %get3A_293 = vector.shape_cast %get3A_292 : vector<1x16xf32> to vector<16xf32>
      %add3A_294 = arith.addf %add3A_287, %get3A_293 : vector<16xf32>
      %add3A_295 = arith.constant 7 : i32
      %add3A_296 = arith.addi %mul3A_108, %add3A_295 : i32
      %get3A_297 = arith.index_cast %add3A_296 : i32 to index
      %get3A_298 = arith.constant 16 : index
      %get3A_299 = tpu.vector_load %arg6[%get3A_297, %get3A_298] {strides = array<i32>} : memref<640x64xf32, #tpu.memory_space<vmem>>, vector<1x16xf32>,
      %get3A_300 = vector.shape_cast %get3A_299 : vector<1x16xf32> to vector<16xf32>
      %add3A_301 = arith.addf %add3A_294, %get3A_300 : vector<16xf32>
      %add3A_302 = arith.constant 8 : i32
      %add3A_303 = arith.addi %mul3A_108, %add3A_302 : i32
      %get3A_304 = arith.index_cast %add3A_303 : i32 to index
      %get3A_305 = arith.constant 16 : index
      %get3A_306 = tpu.vector_load %arg6[%get3A_304, %get3A_305] {strides = array<i32>} : memref<640x64xf32, #tpu.memory_space<vmem>>, vector<1x16xf32>,
      %get3A_307 = vector.shape_cast %get3A_306 : vector<1x16xf32> to vector<16xf32>
      %add3A_308 = arith.addf %add3A_301, %get3A_307 : vector<16xf32>
      %add3A_309 = arith.constant 9 : i32
      %add3A_310 = arith.addi %mul3A_108, %add3A_309 : i32
      %get3A_311 = arith.index_cast %add3A_310 : i32 to index
      %get3A_312 = arith.constant 16 : index
      %get3A_313 = tpu.vector_load %arg6[%get3A_311, %get3A_312] {strides = array<i32>} : memref<640x64xf32, #tpu.memory_space<vmem>>, vector<1x16xf32>,
      %get3A_314 = vector.shape_cast %get3A_313 : vector<1x16xf32> to vector<16xf32>
      %add3A_315 = arith.addf %add3A_308, %get3A_314 : vector<16xf32>
      %add3A_316 = arith.constant 10 : i32
      %add3A_317 = arith.addi %mul3A_108, %add3A_316 : i32
      %get3A_318 = arith.index_cast %add3A_317 : i32 to index
      %get3A_319 = arith.constant 16 : index
      %get3A_320 = tpu.vector_load %arg6[%get3A_318, %get3A_319] {strides = array<i32>} : memref<640x64xf32, #tpu.memory_space<vmem>>, vector<1x16xf32>,
      %get3A_321 = vector.shape_cast %get3A_320 : vector<1x16xf32> to vector<16xf32>
      %add3A_322 = arith.addf %add3A_315, %get3A_321 : vector<16xf32>
      %add3A_323 = arith.constant 11 : i32
      %add3A_324 = arith.addi %mul3A_108, %add3A_323 : i32
      %get3A_325 = arith.index_cast %add3A_324 : i32 to index
      %get3A_326 = arith.constant 16 : index
      %get3A_327 = tpu.vector_load %arg6[%get3A_325, %get3A_326] {strides = array<i32>} : memref<640x64xf32, #tpu.memory_space<vmem>>, vector<1x16xf32>,
      %get3A_328 = vector.shape_cast %get3A_327 : vector<1x16xf32> to vector<16xf32>
      %add3A_329 = arith.addf %add3A_322, %get3A_328 : vector<16xf32>
      %add3A_330 = arith.constant 12 : i32
      %add3A_331 = arith.addi %mul3A_108, %add3A_330 : i32
      %get3A_332 = arith.index_cast %add3A_331 : i32 to index
      %get3A_333 = arith.constant 16 : index
      %get3A_334 = tpu.vector_load %arg6[%get3A_332, %get3A_333] {strides = array<i32>} : memref<640x64xf32, #tpu.memory_space<vmem>>, vector<1x16xf32>,
      %get3A_335 = vector.shape_cast %get3A_334 : vector<1x16xf32> to vector<16xf32>
      %add3A_336 = arith.addf %add3A_329, %get3A_335 : vector<16xf32>
      %add3A_337 = arith.constant 13 : i32
      %add3A_338 = arith.addi %mul3A_108, %add3A_337 : i32
      %get3A_339 = arith.index_cast %add3A_338 : i32 to index
      %get3A_340 = arith.constant 16 : index
      %get3A_341 = tpu.vector_load %arg6[%get3A_339, %get3A_340] {strides = array<i32>} : memref<640x64xf32, #tpu.memory_space<vmem>>, vector<1x16xf32>,
      %get3A_342 = vector.shape_cast %get3A_341 : vector<1x16xf32> to vector<16xf32>
      %add3A_343 = arith.addf %add3A_336, %get3A_342 : vector<16xf32>
      %add3A_344 = arith.constant 14 : i32
      %add3A_345 = arith.addi %mul3A_108, %add3A_344 : i32
      %get3A_346 = arith.index_cast %add3A_345 : i32 to index
      %get3A_347 = arith.constant 16 : index
      %get3A_348 = tpu.vector_load %arg6[%get3A_346, %get3A_347] {strides = array<i32>} : memref<640x64xf32, #tpu.memory_space<vmem>>, vector<1x16xf32>,
      %get3A_349 = vector.shape_cast %get3A_348 : vector<1x16xf32> to vector<16xf32>
      %add3A_350 = arith.addf %add3A_343, %get3A_349 : vector<16xf32>
      %add3A_351 = arith.constant 15 : i32
      %add3A_352 = arith.addi %mul3A_108, %add3A_351 : i32
      %get3A_353 = arith.index_cast %add3A_352 : i32 to index
      %get3A_354 = arith.constant 16 : index
      %get3A_355 = tpu.vector_load %arg6[%get3A_353, %get3A_354] {strides = array<i32>} : memref<640x64xf32, #tpu.memory_space<vmem>>, vector<1x16xf32>,
      %get3A_356 = vector.shape_cast %get3A_355 : vector<1x16xf32> to vector<16xf32>
      %add3A_357 = arith.addf %add3A_350, %get3A_356 : vector<16xf32>
      %add3A_358 = arith.constant 16 : i32
      %add3A_359 = arith.addi %mul3A_108, %add3A_358 : i32
      %get3A_360 = arith.index_cast %add3A_359 : i32 to index
      %get3A_361 = arith.constant 16 : index
      %get3A_362 = tpu.vector_load %arg6[%get3A_360, %get3A_361] {strides = array<i32>} : memref<640x64xf32, #tpu.memory_space<vmem>>, vector<1x16xf32>,
      %get3A_363 = vector.shape_cast %get3A_362 : vector<1x16xf32> to vector<16xf32>
      %add3A_364 = arith.addf %add3A_357, %get3A_363 : vector<16xf32>
      %add3A_365 = arith.constant 17 : i32
      %add3A_366 = arith.addi %mul3A_108, %add3A_365 : i32
      %get3A_367 = arith.index_cast %add3A_366 : i32 to index
      %get3A_368 = arith.constant 16 : index
      %get3A_369 = tpu.vector_load %arg6[%get3A_367, %get3A_368] {strides = array<i32>} : memref<640x64xf32, #tpu.memory_space<vmem>>, vector<1x16xf32>,
      %get3A_370 = vector.shape_cast %get3A_369 : vector<1x16xf32> to vector<16xf32>
      %add3A_371 = arith.addf %add3A_364, %get3A_370 : vector<16xf32>
      %add3A_372 = arith.constant 18 : i32
      %add3A_373 = arith.addi %mul3A_108, %add3A_372 : i32
      %get3A_374 = arith.index_cast %add3A_373 : i32 to index
      %get3A_375 = arith.constant 16 : index
      %get3A_376 = tpu.vector_load %arg6[%get3A_374, %get3A_375] {strides = array<i32>} : memref<640x64xf32, #tpu.memory_space<vmem>>, vector<1x16xf32>,
      %get3A_377 = vector.shape_cast %get3A_376 : vector<1x16xf32> to vector<16xf32>
      %add3A_378 = arith.addf %add3A_371, %get3A_377 : vector<16xf32>
      %add3A_379 = arith.constant 19 : i32
      %add3A_380 = arith.addi %mul3A_108, %add3A_379 : i32
      %get3A_381 = arith.index_cast %add3A_380 : i32 to index
      %get3A_382 = arith.constant 16 : index
      %get3A_383 = tpu.vector_load %arg6[%get3A_381, %get3A_382] {strides = array<i32>} : memref<640x64xf32, #tpu.memory_space<vmem>>, vector<1x16xf32>,
      %get3A_384 = vector.shape_cast %get3A_383 : vector<1x16xf32> to vector<16xf32>
      %add3A_385 = arith.addf %add3A_378, %get3A_384 : vector<16xf32>
      %swap3A_386 = arith.index_cast %scan3A_106 : i32 to index
      %swap3A_387 = arith.constant 16 : index
      %swap3A_388 = tpu.vector_load %arg7[%swap3A_386, %swap3A_387] {strides = array<i32>} : memref<32x64xf32, #tpu.memory_space<vmem>>, vector<1x16xf32>,
      %swap3A_389 = vector.shape_cast %swap3A_388 : vector<1x16xf32> to vector<16xf32>
      %swap3A_390 = vector.shape_cast %add3A_385 : vector<16xf32> to vector<1x16xf32>
      tpu.vector_store %arg7[%swap3A_386, %swap3A_387], %swap3A_390 {strides = array<i32>} : memref<32x64xf32, #tpu.memory_space<vmem>>, vector<1x16xf32>,
      %get3A_391 = arith.index_cast %mul3A_108 : i32 to index
      %get3A_392 = arith.constant 32 : index
      %get3A_393 = tpu.vector_load %arg6[%get3A_391, %get3A_392] {strides = array<i32>} : memref<640x64xf32, #tpu.memory_space<vmem>>, vector<1x16xf32>,
      %get3A_394 = vector.shape_cast %get3A_393 : vector<1x16xf32> to vector<16xf32>
      %add3A_395 = arith.constant 1 : i32
      %add3A_396 = arith.addi %mul3A_108, %add3A_395 : i32
      %get3A_397 = arith.index_cast %add3A_396 : i32 to index
      %get3A_398 = arith.constant 32 : index
      %get3A_399 = tpu.vector_load %arg6[%get3A_397, %get3A_398] {strides = array<i32>} : memref<640x64xf32, #tpu.memory_space<vmem>>, vector<1x16xf32>,
      %get3A_400 = vector.shape_cast %get3A_399 : vector<1x16xf32> to vector<16xf32>
      %add3A_401 = arith.addf %get3A_394, %get3A_400 : vector<16xf32>
      %add3A_402 = arith.constant 2 : i32
      %add3A_403 = arith.addi %mul3A_108, %add3A_402 : i32
      %get3A_404 = arith.index_cast %add3A_403 : i32 to index
      %get3A_405 = arith.constant 32 : index
      %get3A_406 = tpu.vector_load %arg6[%get3A_404, %get3A_405] {strides = array<i32>} : memref<640x64xf32, #tpu.memory_space<vmem>>, vector<1x16xf32>,
      %get3A_407 = vector.shape_cast %get3A_406 : vector<1x16xf32> to vector<16xf32>
      %add3A_408 = arith.addf %add3A_401, %get3A_407 : vector<16xf32>
      %add3A_409 = arith.constant 3 : i32
      %add3A_410 = arith.addi %mul3A_108, %add3A_409 : i32
      %get3A_411 = arith.index_cast %add3A_410 : i32 to index
      %get3A_412 = arith.constant 32 : index
      %get3A_413 = tpu.vector_load %arg6[%get3A_411, %get3A_412] {strides = array<i32>} : memref<640x64xf32, #tpu.memory_space<vmem>>, vector<1x16xf32>,
      %get3A_414 = vector.shape_cast %get3A_413 : vector<1x16xf32> to vector<16xf32>
      %add3A_415 = arith.addf %add3A_408, %get3A_414 : vector<16xf32>
      %add3A_416 = arith.constant 4 : i32
      %add3A_417 = arith.addi %mul3A_108, %add3A_416 : i32
      %get3A_418 = arith.index_cast %add3A_417 : i32 to index
      %get3A_419 = arith.constant 32 : index
      %get3A_420 = tpu.vector_load %arg6[%get3A_418, %get3A_419] {strides = array<i32>} : memref<640x64xf32, #tpu.memory_space<vmem>>, vector<1x16xf32>,
      %get3A_421 = vector.shape_cast %get3A_420 : vector<1x16xf32> to vector<16xf32>
      %add3A_422 = arith.addf %add3A_415, %get3A_421 : vector<16xf32>
      %add3A_423 = arith.constant 5 : i32
      %add3A_424 = arith.addi %mul3A_108, %add3A_423 : i32
      %get3A_425 = arith.index_cast %add3A_424 : i32 to index
      %get3A_426 = arith.constant 32 : index
      %get3A_427 = tpu.vector_load %arg6[%get3A_425, %get3A_426] {strides = array<i32>} : memref<640x64xf32, #tpu.memory_space<vmem>>, vector<1x16xf32>,
      %get3A_428 = vector.shape_cast %get3A_427 : vector<1x16xf32> to vector<16xf32>
      %add3A_429 = arith.addf %add3A_422, %get3A_428 : vector<16xf32>
      %add3A_430 = arith.constant 6 : i32
      %add3A_431 = arith.addi %mul3A_108, %add3A_430 : i32
      %get3A_432 = arith.index_cast %add3A_431 : i32 to index
      %get3A_433 = arith.constant 32 : index
      %get3A_434 = tpu.vector_load %arg6[%get3A_432, %get3A_433] {strides = array<i32>} : memref<640x64xf32, #tpu.memory_space<vmem>>, vector<1x16xf32>,
      %get3A_435 = vector.shape_cast %get3A_434 : vector<1x16xf32> to vector<16xf32>
      %add3A_436 = arith.addf %add3A_429, %get3A_435 : vector<16xf32>
      %add3A_437 = arith.constant 7 : i32
      %add3A_438 = arith.addi %mul3A_108, %add3A_437 : i32
      %get3A_439 = arith.index_cast %add3A_438 : i32 to index
      %get3A_440 = arith.constant 32 : index
      %get3A_441 = tpu.vector_load %arg6[%get3A_439, %get3A_440] {strides = array<i32>} : memref<640x64xf32, #tpu.memory_space<vmem>>, vector<1x16xf32>,
      %get3A_442 = vector.shape_cast %get3A_441 : vector<1x16xf32> to vector<16xf32>
      %add3A_443 = arith.addf %add3A_436, %get3A_442 : vector<16xf32>
      %add3A_444 = arith.constant 8 : i32
      %add3A_445 = arith.addi %mul3A_108, %add3A_444 : i32
      %get3A_446 = arith.index_cast %add3A_445 : i32 to index
      %get3A_447 = arith.constant 32 : index
      %get3A_448 = tpu.vector_load %arg6[%get3A_446, %get3A_447] {strides = array<i32>} : memref<640x64xf32, #tpu.memory_space<vmem>>, vector<1x16xf32>,
      %get3A_449 = vector.shape_cast %get3A_448 : vector<1x16xf32> to vector<16xf32>
      %add3A_450 = arith.addf %add3A_443, %get3A_449 : vector<16xf32>
      %add3A_451 = arith.constant 9 : i32
      %add3A_452 = arith.addi %mul3A_108, %add3A_451 : i32
      %get3A_453 = arith.index_cast %add3A_452 : i32 to index
      %get3A_454 = arith.constant 32 : index
      %get3A_455 = tpu.vector_load %arg6[%get3A_453, %get3A_454] {strides = array<i32>} : memref<640x64xf32, #tpu.memory_space<vmem>>, vector<1x16xf32>,
      %get3A_456 = vector.shape_cast %get3A_455 : vector<1x16xf32> to vector<16xf32>
      %add3A_457 = arith.addf %add3A_450, %get3A_456 : vector<16xf32>
      %add3A_458 = arith.constant 10 : i32
      %add3A_459 = arith.addi %mul3A_108, %add3A_458 : i32
      %get3A_460 = arith.index_cast %add3A_459 : i32 to index
      %get3A_461 = arith.constant 32 : index
      %get3A_462 = tpu.vector_load %arg6[%get3A_460, %get3A_461] {strides = array<i32>} : memref<640x64xf32, #tpu.memory_space<vmem>>, vector<1x16xf32>,
      %get3A_463 = vector.shape_cast %get3A_462 : vector<1x16xf32> to vector<16xf32>
      %add3A_464 = arith.addf %add3A_457, %get3A_463 : vector<16xf32>
      %add3A_465 = arith.constant 11 : i32
      %add3A_466 = arith.addi %mul3A_108, %add3A_465 : i32
      %get3A_467 = arith.index_cast %add3A_466 : i32 to index
      %get3A_468 = arith.constant 32 : index
      %get3A_469 = tpu.vector_load %arg6[%get3A_467, %get3A_468] {strides = array<i32>} : memref<640x64xf32, #tpu.memory_space<vmem>>, vector<1x16xf32>,
      %get3A_470 = vector.shape_cast %get3A_469 : vector<1x16xf32> to vector<16xf32>
      %add3A_471 = arith.addf %add3A_464, %get3A_470 : vector<16xf32>
      %add3A_472 = arith.constant 12 : i32
      %add3A_473 = arith.addi %mul3A_108, %add3A_472 : i32
      %get3A_474 = arith.index_cast %add3A_473 : i32 to index
      %get3A_475 = arith.constant 32 : index
      %get3A_476 = tpu.vector_load %arg6[%get3A_474, %get3A_475] {strides = array<i32>} : memref<640x64xf32, #tpu.memory_space<vmem>>, vector<1x16xf32>,
      %get3A_477 = vector.shape_cast %get3A_476 : vector<1x16xf32> to vector<16xf32>
      %add3A_478 = arith.addf %add3A_471, %get3A_477 : vector<16xf32>
      %add3A_479 = arith.constant 13 : i32
      %add3A_480 = arith.addi %mul3A_108, %add3A_479 : i32
      %get3A_481 = arith.index_cast %add3A_480 : i32 to index
      %get3A_482 = arith.constant 32 : index
      %get3A_483 = tpu.vector_load %arg6[%get3A_481, %get3A_482] {strides = array<i32>} : memref<640x64xf32, #tpu.memory_space<vmem>>, vector<1x16xf32>,
      %get3A_484 = vector.shape_cast %get3A_483 : vector<1x16xf32> to vector<16xf32>
      %add3A_485 = arith.addf %add3A_478, %get3A_484 : vector<16xf32>
      %add3A_486 = arith.constant 14 : i32
      %add3A_487 = arith.addi %mul3A_108, %add3A_486 : i32
      %get3A_488 = arith.index_cast %add3A_487 : i32 to index
      %get3A_489 = arith.constant 32 : index
      %get3A_490 = tpu.vector_load %arg6[%get3A_488, %get3A_489] {strides = array<i32>} : memref<640x64xf32, #tpu.memory_space<vmem>>, vector<1x16xf32>,
      %get3A_491 = vector.shape_cast %get3A_490 : vector<1x16xf32> to vector<16xf32>
      %add3A_492 = arith.addf %add3A_485, %get3A_491 : vector<16xf32>
      %add3A_493 = arith.constant 15 : i32
      %add3A_494 = arith.addi %mul3A_108, %add3A_493 : i32
      %get3A_495 = arith.index_cast %add3A_494 : i32 to index
      %get3A_496 = arith.constant 32 : index
      %get3A_497 = tpu.vector_load %arg6[%get3A_495, %get3A_496] {strides = array<i32>} : memref<640x64xf32, #tpu.memory_space<vmem>>, vector<1x16xf32>,
      %get3A_498 = vector.shape_cast %get3A_497 : vector<1x16xf32> to vector<16xf32>
      %add3A_499 = arith.addf %add3A_492, %get3A_498 : vector<16xf32>
      %add3A_500 = arith.constant 16 : i32
      %add3A_501 = arith.addi %mul3A_108, %add3A_500 : i32
      %get3A_502 = arith.index_cast %add3A_501 : i32 to index
      %get3A_503 = arith.constant 32 : index
      %get3A_504 = tpu.vector_load %arg6[%get3A_502, %get3A_503] {strides = array<i32>} : memref<640x64xf32, #tpu.memory_space<vmem>>, vector<1x16xf32>,
      %get3A_505 = vector.shape_cast %get3A_504 : vector<1x16xf32> to vector<16xf32>
      %add3A_506 = arith.addf %add3A_499, %get3A_505 : vector<16xf32>
      %add3A_507 = arith.constant 17 : i32
      %add3A_508 = arith.addi %mul3A_108, %add3A_507 : i32
      %get3A_509 = arith.index_cast %add3A_508 : i32 to index
      %get3A_510 = arith.constant 32 : index
      %get3A_511 = tpu.vector_load %arg6[%get3A_509, %get3A_510] {strides = array<i32>} : memref<640x64xf32, #tpu.memory_space<vmem>>, vector<1x16xf32>,
      %get3A_512 = vector.shape_cast %get3A_511 : vector<1x16xf32> to vector<16xf32>
      %add3A_513 = arith.addf %add3A_506, %get3A_512 : vector<16xf32>
      %add3A_514 = arith.constant 18 : i32
      %add3A_515 = arith.addi %mul3A_108, %add3A_514 : i32
      %get3A_516 = arith.index_cast %add3A_515 : i32 to index
      %get3A_517 = arith.constant 32 : index
      %get3A_518 = tpu.vector_load %arg6[%get3A_516, %get3A_517] {strides = array<i32>} : memref<640x64xf32, #tpu.memory_space<vmem>>, vector<1x16xf32>,
      %get3A_519 = vector.shape_cast %get3A_518 : vector<1x16xf32> to vector<16xf32>
      %add3A_520 = arith.addf %add3A_513, %get3A_519 : vector<16xf32>
      %add3A_521 = arith.constant 19 : i32
      %add3A_522 = arith.addi %mul3A_108, %add3A_521 : i32
      %get3A_523 = arith.index_cast %add3A_522 : i32 to index
      %get3A_524 = arith.constant 32 : index
      %get3A_525 = tpu.vector_load %arg6[%get3A_523, %get3A_524] {strides = array<i32>} : memref<640x64xf32, #tpu.memory_space<vmem>>, vector<1x16xf32>,
      %get3A_526 = vector.shape_cast %get3A_525 : vector<1x16xf32> to vector<16xf32>
      %add3A_527 = arith.addf %add3A_520, %get3A_526 : vector<16xf32>
      %swap3A_528 = arith.index_cast %scan3A_106 : i32 to index
      %swap3A_529 = arith.constant 32 : index
      %swap3A_530 = tpu.vector_load %arg7[%swap3A_528, %swap3A_529] {strides = array<i32>} : memref<32x64xf32, #tpu.memory_space<vmem>>, vector<1x16xf32>,
      %swap3A_531 = vector.shape_cast %swap3A_530 : vector<1x16xf32> to vector<16xf32>
      %swap3A_532 = vector.shape_cast %add3A_527 : vector<16xf32> to vector<1x16xf32>
      tpu.vector_store %arg7[%swap3A_528, %swap3A_529], %swap3A_532 {strides = array<i32>} : memref<32x64xf32, #tpu.memory_space<vmem>>, vector<1x16xf32>,
      %get3A_533 = arith.index_cast %mul3A_108 : i32 to index
      %get3A_534 = arith.constant 48 : index
      %get3A_535 = tpu.vector_load %arg6[%get3A_533, %get3A_534] {strides = array<i32>} : memref<640x64xf32, #tpu.memory_space<vmem>>, vector<1x16xf32>,
      %get3A_536 = vector.shape_cast %get3A_535 : vector<1x16xf32> to vector<16xf32>
      %add3A_537 = arith.constant 1 : i32
      %add3A_538 = arith.addi %mul3A_108, %add3A_537 : i32
      %get3A_539 = arith.index_cast %add3A_538 : i32 to index
      %get3A_540 = arith.constant 48 : index
      %get3A_541 = tpu.vector_load %arg6[%get3A_539, %get3A_540] {strides = array<i32>} : memref<640x64xf32, #tpu.memory_space<vmem>>, vector<1x16xf32>,
      %get3A_542 = vector.shape_cast %get3A_541 : vector<1x16xf32> to vector<16xf32>
      %add3A_543 = arith.addf %get3A_536, %get3A_542 : vector<16xf32>
      %add3A_544 = arith.constant 2 : i32
      %add3A_545 = arith.addi %mul3A_108, %add3A_544 : i32
      %get3A_546 = arith.index_cast %add3A_545 : i32 to index
      %get3A_547 = arith.constant 48 : index
      %get3A_548 = tpu.vector_load %arg6[%get3A_546, %get3A_547] {strides = array<i32>} : memref<640x64xf32, #tpu.memory_space<vmem>>, vector<1x16xf32>,
      %get3A_549 = vector.shape_cast %get3A_548 : vector<1x16xf32> to vector<16xf32>
      %add3A_550 = arith.addf %add3A_543, %get3A_549 : vector<16xf32>
      %add3A_551 = arith.constant 3 : i32
      %add3A_552 = arith.addi %mul3A_108, %add3A_551 : i32
      %get3A_553 = arith.index_cast %add3A_552 : i32 to index
      %get3A_554 = arith.constant 48 : index
      %get3A_555 = tpu.vector_load %arg6[%get3A_553, %get3A_554] {strides = array<i32>} : memref<640x64xf32, #tpu.memory_space<vmem>>, vector<1x16xf32>,
      %get3A_556 = vector.shape_cast %get3A_555 : vector<1x16xf32> to vector<16xf32>
      %add3A_557 = arith.addf %add3A_550, %get3A_556 : vector<16xf32>
      %add3A_558 = arith.constant 4 : i32
      %add3A_559 = arith.addi %mul3A_108, %add3A_558 : i32
      %get3A_560 = arith.index_cast %add3A_559 : i32 to index
      %get3A_561 = arith.constant 48 : index
      %get3A_562 = tpu.vector_load %arg6[%get3A_560, %get3A_561] {strides = array<i32>} : memref<640x64xf32, #tpu.memory_space<vmem>>, vector<1x16xf32>,
      %get3A_563 = vector.shape_cast %get3A_562 : vector<1x16xf32> to vector<16xf32>
      %add3A_564 = arith.addf %add3A_557, %get3A_563 : vector<16xf32>
      %add3A_565 = arith.constant 5 : i32
      %add3A_566 = arith.addi %mul3A_108, %add3A_565 : i32
      %get3A_567 = arith.index_cast %add3A_566 : i32 to index
      %get3A_568 = arith.constant 48 : index
      %get3A_569 = tpu.vector_load %arg6[%get3A_567, %get3A_568] {strides = array<i32>} : memref<640x64xf32, #tpu.memory_space<vmem>>, vector<1x16xf32>,
      %get3A_570 = vector.shape_cast %get3A_569 : vector<1x16xf32> to vector<16xf32>
      %add3A_571 = arith.addf %add3A_564, %get3A_570 : vector<16xf32>
      %add3A_572 = arith.constant 6 : i32
      %add3A_573 = arith.addi %mul3A_108, %add3A_572 : i32
      %get3A_574 = arith.index_cast %add3A_573 : i32 to index
      %get3A_575 = arith.constant 48 : index
      %get3A_576 = tpu.vector_load %arg6[%get3A_574, %get3A_575] {strides = array<i32>} : memref<640x64xf32, #tpu.memory_space<vmem>>, vector<1x16xf32>,
      %get3A_577 = vector.shape_cast %get3A_576 : vector<1x16xf32> to vector<16xf32>
      %add3A_578 = arith.addf %add3A_571, %get3A_577 : vector<16xf32>
      %add3A_579 = arith.constant 7 : i32
      %add3A_580 = arith.addi %mul3A_108, %add3A_579 : i32
      %get3A_581 = arith.index_cast %add3A_580 : i32 to index
      %get3A_582 = arith.constant 48 : index
      %get3A_583 = tpu.vector_load %arg6[%get3A_581, %get3A_582] {strides = array<i32>} : memref<640x64xf32, #tpu.memory_space<vmem>>, vector<1x16xf32>,
      %get3A_584 = vector.shape_cast %get3A_583 : vector<1x16xf32> to vector<16xf32>
      %add3A_585 = arith.addf %add3A_578, %get3A_584 : vector<16xf32>
      %add3A_586 = arith.constant 8 : i32
      %add3A_587 = arith.addi %mul3A_108, %add3A_586 : i32
      %get3A_588 = arith.index_cast %add3A_587 : i32 to index
      %get3A_589 = arith.constant 48 : index
      %get3A_590 = tpu.vector_load %arg6[%get3A_588, %get3A_589] {strides = array<i32>} : memref<640x64xf32, #tpu.memory_space<vmem>>, vector<1x16xf32>,
      %get3A_591 = vector.shape_cast %get3A_590 : vector<1x16xf32> to vector<16xf32>
      %add3A_592 = arith.addf %add3A_585, %get3A_591 : vector<16xf32>
      %add3A_593 = arith.constant 9 : i32
      %add3A_594 = arith.addi %mul3A_108, %add3A_593 : i32
      %get3A_595 = arith.index_cast %add3A_594 : i32 to index
      %get3A_596 = arith.constant 48 : index
      %get3A_597 = tpu.vector_load %arg6[%get3A_595, %get3A_596] {strides = array<i32>} : memref<640x64xf32, #tpu.memory_space<vmem>>, vector<1x16xf32>,
      %get3A_598 = vector.shape_cast %get3A_597 : vector<1x16xf32> to vector<16xf32>
      %add3A_599 = arith.addf %add3A_592, %get3A_598 : vector<16xf32>
      %add3A_600 = arith.constant 10 : i32
      %add3A_601 = arith.addi %mul3A_108, %add3A_600 : i32
      %get3A_602 = arith.index_cast %add3A_601 : i32 to index
      %get3A_603 = arith.constant 48 : index
      %get3A_604 = tpu.vector_load %arg6[%get3A_602, %get3A_603] {strides = array<i32>} : memref<640x64xf32, #tpu.memory_space<vmem>>, vector<1x16xf32>,
      %get3A_605 = vector.shape_cast %get3A_604 : vector<1x16xf32> to vector<16xf32>
      %add3A_606 = arith.addf %add3A_599, %get3A_605 : vector<16xf32>
      %add3A_607 = arith.constant 11 : i32
      %add3A_608 = arith.addi %mul3A_108, %add3A_607 : i32
      %get3A_609 = arith.index_cast %add3A_608 : i32 to index
      %get3A_610 = arith.constant 48 : index
      %get3A_611 = tpu.vector_load %arg6[%get3A_609, %get3A_610] {strides = array<i32>} : memref<640x64xf32, #tpu.memory_space<vmem>>, vector<1x16xf32>,
      %get3A_612 = vector.shape_cast %get3A_611 : vector<1x16xf32> to vector<16xf32>
      %add3A_613 = arith.addf %add3A_606, %get3A_612 : vector<16xf32>
      %add3A_614 = arith.constant 12 : i32
      %add3A_615 = arith.addi %mul3A_108, %add3A_614 : i32
      %get3A_616 = arith.index_cast %add3A_615 : i32 to index
      %get3A_617 = arith.constant 48 : index
      %get3A_618 = tpu.vector_load %arg6[%get3A_616, %get3A_617] {strides = array<i32>} : memref<640x64xf32, #tpu.memory_space<vmem>>, vector<1x16xf32>,
      %get3A_619 = vector.shape_cast %get3A_618 : vector<1x16xf32> to vector<16xf32>
      %add3A_620 = arith.addf %add3A_613, %get3A_619 : vector<16xf32>
      %add3A_621 = arith.constant 13 : i32
      %add3A_622 = arith.addi %mul3A_108, %add3A_621 : i32
      %get3A_623 = arith.index_cast %add3A_622 : i32 to index
      %get3A_624 = arith.constant 48 : index
      %get3A_625 = tpu.vector_load %arg6[%get3A_623, %get3A_624] {strides = array<i32>} : memref<640x64xf32, #tpu.memory_space<vmem>>, vector<1x16xf32>,
      %get3A_626 = vector.shape_cast %get3A_625 : vector<1x16xf32> to vector<16xf32>
      %add3A_627 = arith.addf %add3A_620, %get3A_626 : vector<16xf32>
      %add3A_628 = arith.constant 14 : i32
      %add3A_629 = arith.addi %mul3A_108, %add3A_628 : i32
      %get3A_630 = arith.index_cast %add3A_629 : i32 to index
      %get3A_631 = arith.constant 48 : index
      %get3A_632 = tpu.vector_load %arg6[%get3A_630, %get3A_631] {strides = array<i32>} : memref<640x64xf32, #tpu.memory_space<vmem>>, vector<1x16xf32>,
      %get3A_633 = vector.shape_cast %get3A_632 : vector<1x16xf32> to vector<16xf32>
      %add3A_634 = arith.addf %add3A_627, %get3A_633 : vector<16xf32>
      %add3A_635 = arith.constant 15 : i32
      %add3A_636 = arith.addi %mul3A_108, %add3A_635 : i32
      %get3A_637 = arith.index_cast %add3A_636 : i32 to index
      %get3A_638 = arith.constant 48 : index
      %get3A_639 = tpu.vector_load %arg6[%get3A_637, %get3A_638] {strides = array<i32>} : memref<640x64xf32, #tpu.memory_space<vmem>>, vector<1x16xf32>,
      %get3A_640 = vector.shape_cast %get3A_639 : vector<1x16xf32> to vector<16xf32>
      %add3A_641 = arith.addf %add3A_634, %get3A_640 : vector<16xf32>
      %add3A_642 = arith.constant 16 : i32
      %add3A_643 = arith.addi %mul3A_108, %add3A_642 : i32
      %get3A_644 = arith.index_cast %add3A_643 : i32 to index
      %get3A_645 = arith.constant 48 : index
      %get3A_646 = tpu.vector_load %arg6[%get3A_644, %get3A_645] {strides = array<i32>} : memref<640x64xf32, #tpu.memory_space<vmem>>, vector<1x16xf32>,
      %get3A_647 = vector.shape_cast %get3A_646 : vector<1x16xf32> to vector<16xf32>
      %add3A_648 = arith.addf %add3A_641, %get3A_647 : vector<16xf32>
      %add3A_649 = arith.constant 17 : i32
      %add3A_650 = arith.addi %mul3A_108, %add3A_649 : i32
      %get3A_651 = arith.index_cast %add3A_650 : i32 to index
      %get3A_652 = arith.constant 48 : index
      %get3A_653 = tpu.vector_load %arg6[%get3A_651, %get3A_652] {strides = array<i32>} : memref<640x64xf32, #tpu.memory_space<vmem>>, vector<1x16xf32>,
      %get3A_654 = vector.shape_cast %get3A_653 : vector<1x16xf32> to vector<16xf32>
      %add3A_655 = arith.addf %add3A_648, %get3A_654 : vector<16xf32>
      %add3A_656 = arith.constant 18 : i32
      %add3A_657 = arith.addi %mul3A_108, %add3A_656 : i32
      %get3A_658 = arith.index_cast %add3A_657 : i32 to index
      %get3A_659 = arith.constant 48 : index
      %get3A_660 = tpu.vector_load %arg6[%get3A_658, %get3A_659] {strides = array<i32>} : memref<640x64xf32, #tpu.memory_space<vmem>>, vector<1x16xf32>,
      %get3A_661 = vector.shape_cast %get3A_660 : vector<1x16xf32> to vector<16xf32>
      %add3A_662 = arith.addf %add3A_655, %get3A_661 : vector<16xf32>
      %add3A_663 = arith.constant 19 : i32
      %add3A_664 = arith.addi %mul3A_108, %add3A_663 : i32
      %get3A_665 = arith.index_cast %add3A_664 : i32 to index
      %get3A_666 = arith.constant 48 : index
      %get3A_667 = tpu.vector_load %arg6[%get3A_665, %get3A_666] {strides = array<i32>} : memref<640x64xf32, #tpu.memory_space<vmem>>, vector<1x16xf32>,
      %get3A_668 = vector.shape_cast %get3A_667 : vector<1x16xf32> to vector<16xf32>
      %add3A_669 = arith.addf %add3A_662, %get3A_668 : vector<16xf32>
      %swap3A_670 = arith.index_cast %scan3A_106 : i32 to index
      %swap3A_671 = arith.constant 48 : index
      %swap3A_672 = tpu.vector_load %arg7[%swap3A_670, %swap3A_671] {strides = array<i32>} : memref<32x64xf32, #tpu.memory_space<vmem>>, vector<1x16xf32>,
      %swap3A_673 = vector.shape_cast %swap3A_672 : vector<1x16xf32> to vector<16xf32>
      %swap3A_674 = vector.shape_cast %add3A_669 : vector<16xf32> to vector<1x16xf32>
      tpu.vector_store %arg7[%swap3A_670, %swap3A_671], %swap3A_674 {strides = array<i32>} : memref<32x64xf32, #tpu.memory_space<vmem>>, vector<1x16xf32>,
    }
    %scan3A_103 = arith.constant 32 : i32
    %mul3A_104 = arith.constant 32 : i32
    %mul3A_105 = arith.muli %add3A, %mul3A_104 : i32
    "tpu.region"() ({
      %run_scoped3A = tpu.sem_alloc : memref<!tpu.dma_semaphore, #tpu.memory_space<semaphore_mem>>
      %dma_start3A_106 = arith.constant 0 : i32
      %dma_start3A_107 = tpu.memref_slice %arg4[%mul3A_105, %dma_start3A_106] : memref<1024x64xf32, #tpu.memory_space<hbm>> -> memref<32x64xf32, #tpu.memory_space<hbm>>
      %dma_start3A_108 = arith.constant 0 : i32
      %dma_start3A_109 = tpu.memref_slice %arg4[%mul3A_105, %dma_start3A_108] : memref<1024x64xf32, #tpu.memory_space<hbm>> -> memref<32x64xf32, #tpu.memory_space<hbm>>
      tpu.enqueue_dma source(%arg7 : memref<32x64xf32, #tpu.memory_space<vmem>>) target(%dma_start3A_109 : memref<32x64xf32, #tpu.memory_space<hbm>>) target_semaphore(%run_scoped3A : memref<!tpu.dma_semaphore, #tpu.memory_space<semaphore_mem>>)
      %dma_wait3A_110 = arith.constant 0 : i32
      %dma_wait3A_111 = tpu.memref_slice %arg4[%mul3A_105, %dma_wait3A_110] : memref<1024x64xf32, #tpu.memory_space<hbm>> -> memref<32x64xf32, #tpu.memory_space<hbm>>
      %dma_wait3A_112 = arith.constant 0 : i32
      %dma_wait3A_113 = tpu.memref_slice %arg4[%mul3A_105, %dma_wait3A_112] : memref<1024x64xf32, #tpu.memory_space<hbm>> -> memref<32x64xf32, #tpu.memory_space<hbm>>
      tpu.wait_dma2 semaphore(%run_scoped3A : memref<!tpu.dma_semaphore, #tpu.memory_space<semaphore_mem>>) src(%arg7 : memref<32x64xf32, #tpu.memory_space<vmem>>) dst(%dma_wait3A_113 : memref<32x64xf32, #tpu.memory_space<hbm>>)
      tpu.yield
    }) : () -> ()
    return
  }
}

module attributes {stable_mosaic.version = 14 : i64} {
  func.func @_tc_body(%arg0: i32, %arg1: memref<65x2048xbf16, #tpu.memory_space<vmem>>, %arg2: memref<65x1024xf32, #tpu.memory_space<vmem>>, %arg3: memref<2048x1024xf32, #tpu.memory_space<vmem>>, %arg4: memref<1x1024xf32, #tpu.memory_space<vmem>>) attributes {dimension_semantics = [#tpu.dimension_semantics<arbitrary>], iteration_bounds = array<i64: 98>, scalar_prefetch = 0 : i64, scratch_operands = 1 : i64, tpu.core_type = #tpu.core_type<tc>, window_params = [{transform_indices = @transform_0, window_bounds = array<i64: 65, 2048>}, {pipeline_mode = #tpu.pipeline_mode<synchronous>, transform_indices = @transform_1, window_bounds = array<i64: 65, 1024>}, {transform_indices = @transform_2, window_bounds = array<i64: 2048, 1024>}]} {
    %get3A = arith.constant 0 : index
    %get3A_0 = arith.constant 0 : index
    %get3A_1 = vector.load %arg2[%get3A, %get3A_0] : memref<65x1024xf32, #tpu.memory_space<vmem>>, vector<65x1024xf32>
    %convert_element_type3A = arith.truncf %get3A_1 : vector<65x1024xf32> to vector<65x1024xbf16>
    %eq3A = arith.constant 0 : i32
    %eq3A_2 = arith.cmpi eq, %arg0, %eq3A : i32
    %convert_element_type3A_3 = arith.extui %eq3A_2 : i1 to i32
    %cond3A = arith.constant 0 : i32
    %cond3A_4 = arith.cmpi ne, %convert_element_type3A_3, %cond3A : i32
    scf.if %cond3A_4 {
      %broadcast_in_dim3A = arith.constant 0.000000e+00 : f32
      %broadcast_in_dim3A_13 = vector.broadcast %broadcast_in_dim3A : f32 to vector<1x1024xf32>
      %swap3A = arith.constant 0 : index
      %swap3A_14 = arith.constant 0 : index
      %swap3A_15 = vector.load %arg4[%swap3A, %swap3A_14] : memref<1x1024xf32, #tpu.memory_space<vmem>>, vector<1x1024xf32>
      tpu.vector_store %arg4[%swap3A, %swap3A_14], %broadcast_in_dim3A_13 {strides = array<i32>} : memref<1x1024xf32, #tpu.memory_space<vmem>>, vector<1x1024xf32>,
    } else {
    }
    %lt3A = arith.constant 49 : i32
    %lt3A_5 = arith.cmpi slt, %arg0, %lt3A : i32
    %convert_element_type3A_6 = arith.extui %lt3A_5 : i1 to i32
    %cond3A_7 = arith.constant 0 : i32
    %cond3A_8 = arith.cmpi ne, %convert_element_type3A_6, %cond3A_7 : i32
    scf.if %cond3A_8 {
      %broadcast_in_dim3A = arith.constant 0.000000e+00 : f32
      %broadcast_in_dim3A_13 = vector.broadcast %broadcast_in_dim3A : f32 to vector<8x1024xf32>
      %get3A_14 = arith.constant 0 : index
      %get3A_15 = arith.constant 0 : index
      %get3A_16 = vector.load %arg1[%get3A_14, %get3A_15] : memref<65x2048xbf16, #tpu.memory_space<vmem>>, vector<65x64xbf16>
      %dot_general3A = arith.constant dense<0.000000e+00> : vector<64x1024xf32>
      %dot_general3A_17 = tpu.matmul %get3A_16, %convert_element_type3A, %dot_general3A {dimension_numbers = #tpu.dot_dimension_numbers<[0], [0], [1], [1], [0, 1, 1, 1], [], []>, transpose_lhs_hint = false} : vector<65x64xbf16>, vector<65x1024xbf16>, vector<64x1024xf32> -> vector<64x1024xf32>
      %exp3A = math.exp %dot_general3A_17 : vector<64x1024xf32>
      %slice3A = vector.extract_strided_slice %exp3A {offsets = [0, 0], sizes = [8, 1024], strides = [1, 1]} : vector<64x1024xf32> to vector<8x1024xf32>
      %slice3A_18 = vector.extract_strided_slice %exp3A {offsets = [8, 0], sizes = [8, 1024], strides = [1, 1]} : vector<64x1024xf32> to vector<8x1024xf32>
      %add3A = arith.addf %slice3A, %slice3A_18 : vector<8x1024xf32>
      %slice3A_19 = vector.extract_strided_slice %exp3A {offsets = [16, 0], sizes = [8, 1024], strides = [1, 1]} : vector<64x1024xf32> to vector<8x1024xf32>
      %slice3A_20 = vector.extract_strided_slice %exp3A {offsets = [24, 0], sizes = [8, 1024], strides = [1, 1]} : vector<64x1024xf32> to vector<8x1024xf32>
      %add3A_21 = arith.addf %slice3A_19, %slice3A_20 : vector<8x1024xf32>
      %add3A_22 = arith.addf %add3A, %add3A_21 : vector<8x1024xf32>
      %slice3A_23 = vector.extract_strided_slice %exp3A {offsets = [32, 0], sizes = [8, 1024], strides = [1, 1]} : vector<64x1024xf32> to vector<8x1024xf32>
      %slice3A_24 = vector.extract_strided_slice %exp3A {offsets = [40, 0], sizes = [8, 1024], strides = [1, 1]} : vector<64x1024xf32> to vector<8x1024xf32>
      %add3A_25 = arith.addf %slice3A_23, %slice3A_24 : vector<8x1024xf32>
      %slice3A_26 = vector.extract_strided_slice %exp3A {offsets = [48, 0], sizes = [8, 1024], strides = [1, 1]} : vector<64x1024xf32> to vector<8x1024xf32>
      %slice3A_27 = vector.extract_strided_slice %exp3A {offsets = [56, 0], sizes = [8, 1024], strides = [1, 1]} : vector<64x1024xf32> to vector<8x1024xf32>
      %add3A_28 = arith.addf %slice3A_26, %slice3A_27 : vector<8x1024xf32>
      %add3A_29 = arith.addf %add3A_25, %add3A_28 : vector<8x1024xf32>
      %add3A_30 = arith.addf %add3A_22, %add3A_29 : vector<8x1024xf32>
      %add3A_31 = arith.addf %broadcast_in_dim3A_13, %add3A_30 : vector<8x1024xf32>
      %get3A_32 = arith.constant 0 : index
      %get3A_33 = arith.constant 64 : index
      %get3A_34 = vector.load %arg1[%get3A_32, %get3A_33] : memref<65x2048xbf16, #tpu.memory_space<vmem>>, vector<65x64xbf16>
      %dot_general3A_35 = arith.constant dense<0.000000e+00> : vector<64x1024xf32>
      %dot_general3A_36 = tpu.matmul %get3A_34, %convert_element_type3A, %dot_general3A_35 {dimension_numbers = #tpu.dot_dimension_numbers<[0], [0], [1], [1], [0, 1, 1, 1], [], []>, transpose_lhs_hint = false} : vector<65x64xbf16>, vector<65x1024xbf16>, vector<64x1024xf32> -> vector<64x1024xf32>
      %exp3A_37 = math.exp %dot_general3A_36 : vector<64x1024xf32>
      %slice3A_38 = vector.extract_strided_slice %exp3A_37 {offsets = [0, 0], sizes = [8, 1024], strides = [1, 1]} : vector<64x1024xf32> to vector<8x1024xf32>
      %slice3A_39 = vector.extract_strided_slice %exp3A_37 {offsets = [8, 0], sizes = [8, 1024], strides = [1, 1]} : vector<64x1024xf32> to vector<8x1024xf32>
      %add3A_40 = arith.addf %slice3A_38, %slice3A_39 : vector<8x1024xf32>
      %slice3A_41 = vector.extract_strided_slice %exp3A_37 {offsets = [16, 0], sizes = [8, 1024], strides = [1, 1]} : vector<64x1024xf32> to vector<8x1024xf32>
      %slice3A_42 = vector.extract_strided_slice %exp3A_37 {offsets = [24, 0], sizes = [8, 1024], strides = [1, 1]} : vector<64x1024xf32> to vector<8x1024xf32>
      %add3A_43 = arith.addf %slice3A_41, %slice3A_42 : vector<8x1024xf32>
      %add3A_44 = arith.addf %add3A_40, %add3A_43 : vector<8x1024xf32>
      %slice3A_45 = vector.extract_strided_slice %exp3A_37 {offsets = [32, 0], sizes = [8, 1024], strides = [1, 1]} : vector<64x1024xf32> to vector<8x1024xf32>
      %slice3A_46 = vector.extract_strided_slice %exp3A_37 {offsets = [40, 0], sizes = [8, 1024], strides = [1, 1]} : vector<64x1024xf32> to vector<8x1024xf32>
      %add3A_47 = arith.addf %slice3A_45, %slice3A_46 : vector<8x1024xf32>
      %slice3A_48 = vector.extract_strided_slice %exp3A_37 {offsets = [48, 0], sizes = [8, 1024], strides = [1, 1]} : vector<64x1024xf32> to vector<8x1024xf32>
      %slice3A_49 = vector.extract_strided_slice %exp3A_37 {offsets = [56, 0], sizes = [8, 1024], strides = [1, 1]} : vector<64x1024xf32> to vector<8x1024xf32>
      %add3A_50 = arith.addf %slice3A_48, %slice3A_49 : vector<8x1024xf32>
      %add3A_51 = arith.addf %add3A_47, %add3A_50 : vector<8x1024xf32>
      %add3A_52 = arith.addf %add3A_44, %add3A_51 : vector<8x1024xf32>
      %add3A_53 = arith.addf %add3A_31, %add3A_52 : vector<8x1024xf32>
      %get3A_54 = arith.constant 0 : index
      %get3A_55 = arith.constant 128 : index
      %get3A_56 = vector.load %arg1[%get3A_54, %get3A_55] : memref<65x2048xbf16, #tpu.memory_space<vmem>>, vector<65x64xbf16>
      %dot_general3A_57 = arith.constant dense<0.000000e+00> : vector<64x1024xf32>
      %dot_general3A_58 = tpu.matmul %get3A_56, %convert_element_type3A, %dot_general3A_57 {dimension_numbers = #tpu.dot_dimension_numbers<[0], [0], [1], [1], [0, 1, 1, 1], [], []>, transpose_lhs_hint = false} : vector<65x64xbf16>, vector<65x1024xbf16>, vector<64x1024xf32> -> vector<64x1024xf32>
      %exp3A_59 = math.exp %dot_general3A_58 : vector<64x1024xf32>
      %slice3A_60 = vector.extract_strided_slice %exp3A_59 {offsets = [0, 0], sizes = [8, 1024], strides = [1, 1]} : vector<64x1024xf32> to vector<8x1024xf32>
      %slice3A_61 = vector.extract_strided_slice %exp3A_59 {offsets = [8, 0], sizes = [8, 1024], strides = [1, 1]} : vector<64x1024xf32> to vector<8x1024xf32>
      %add3A_62 = arith.addf %slice3A_60, %slice3A_61 : vector<8x1024xf32>
      %slice3A_63 = vector.extract_strided_slice %exp3A_59 {offsets = [16, 0], sizes = [8, 1024], strides = [1, 1]} : vector<64x1024xf32> to vector<8x1024xf32>
      %slice3A_64 = vector.extract_strided_slice %exp3A_59 {offsets = [24, 0], sizes = [8, 1024], strides = [1, 1]} : vector<64x1024xf32> to vector<8x1024xf32>
      %add3A_65 = arith.addf %slice3A_63, %slice3A_64 : vector<8x1024xf32>
      %add3A_66 = arith.addf %add3A_62, %add3A_65 : vector<8x1024xf32>
      %slice3A_67 = vector.extract_strided_slice %exp3A_59 {offsets = [32, 0], sizes = [8, 1024], strides = [1, 1]} : vector<64x1024xf32> to vector<8x1024xf32>
      %slice3A_68 = vector.extract_strided_slice %exp3A_59 {offsets = [40, 0], sizes = [8, 1024], strides = [1, 1]} : vector<64x1024xf32> to vector<8x1024xf32>
      %add3A_69 = arith.addf %slice3A_67, %slice3A_68 : vector<8x1024xf32>
      %slice3A_70 = vector.extract_strided_slice %exp3A_59 {offsets = [48, 0], sizes = [8, 1024], strides = [1, 1]} : vector<64x1024xf32> to vector<8x1024xf32>
      %slice3A_71 = vector.extract_strided_slice %exp3A_59 {offsets = [56, 0], sizes = [8, 1024], strides = [1, 1]} : vector<64x1024xf32> to vector<8x1024xf32>
      %add3A_72 = arith.addf %slice3A_70, %slice3A_71 : vector<8x1024xf32>
      %add3A_73 = arith.addf %add3A_69, %add3A_72 : vector<8x1024xf32>
      %add3A_74 = arith.addf %add3A_66, %add3A_73 : vector<8x1024xf32>
      %add3A_75 = arith.addf %add3A_53, %add3A_74 : vector<8x1024xf32>
      %get3A_76 = arith.constant 0 : index
      %get3A_77 = arith.constant 192 : index
      %get3A_78 = vector.load %arg1[%get3A_76, %get3A_77] : memref<65x2048xbf16, #tpu.memory_space<vmem>>, vector<65x64xbf16>
      %dot_general3A_79 = arith.constant dense<0.000000e+00> : vector<64x1024xf32>
      %dot_general3A_80 = tpu.matmul %get3A_78, %convert_element_type3A, %dot_general3A_79 {dimension_numbers = #tpu.dot_dimension_numbers<[0], [0], [1], [1], [0, 1, 1, 1], [], []>, transpose_lhs_hint = false} : vector<65x64xbf16>, vector<65x1024xbf16>, vector<64x1024xf32> -> vector<64x1024xf32>
      %exp3A_81 = math.exp %dot_general3A_80 : vector<64x1024xf32>
      %slice3A_82 = vector.extract_strided_slice %exp3A_81 {offsets = [0, 0], sizes = [8, 1024], strides = [1, 1]} : vector<64x1024xf32> to vector<8x1024xf32>
      %slice3A_83 = vector.extract_strided_slice %exp3A_81 {offsets = [8, 0], sizes = [8, 1024], strides = [1, 1]} : vector<64x1024xf32> to vector<8x1024xf32>
      %add3A_84 = arith.addf %slice3A_82, %slice3A_83 : vector<8x1024xf32>
      %slice3A_85 = vector.extract_strided_slice %exp3A_81 {offsets = [16, 0], sizes = [8, 1024], strides = [1, 1]} : vector<64x1024xf32> to vector<8x1024xf32>
      %slice3A_86 = vector.extract_strided_slice %exp3A_81 {offsets = [24, 0], sizes = [8, 1024], strides = [1, 1]} : vector<64x1024xf32> to vector<8x1024xf32>
      %add3A_87 = arith.addf %slice3A_85, %slice3A_86 : vector<8x1024xf32>
      %add3A_88 = arith.addf %add3A_84, %add3A_87 : vector<8x1024xf32>
      %slice3A_89 = vector.extract_strided_slice %exp3A_81 {offsets = [32, 0], sizes = [8, 1024], strides = [1, 1]} : vector<64x1024xf32> to vector<8x1024xf32>
      %slice3A_90 = vector.extract_strided_slice %exp3A_81 {offsets = [40, 0], sizes = [8, 1024], strides = [1, 1]} : vector<64x1024xf32> to vector<8x1024xf32>
      %add3A_91 = arith.addf %slice3A_89, %slice3A_90 : vector<8x1024xf32>
      %slice3A_92 = vector.extract_strided_slice %exp3A_81 {offsets = [48, 0], sizes = [8, 1024], strides = [1, 1]} : vector<64x1024xf32> to vector<8x1024xf32>
      %slice3A_93 = vector.extract_strided_slice %exp3A_81 {offsets = [56, 0], sizes = [8, 1024], strides = [1, 1]} : vector<64x1024xf32> to vector<8x1024xf32>
      %add3A_94 = arith.addf %slice3A_92, %slice3A_93 : vector<8x1024xf32>
      %add3A_95 = arith.addf %add3A_91, %add3A_94 : vector<8x1024xf32>
      %add3A_96 = arith.addf %add3A_88, %add3A_95 : vector<8x1024xf32>
      %add3A_97 = arith.addf %add3A_75, %add3A_96 : vector<8x1024xf32>
      %get3A_98 = arith.constant 0 : index
      %get3A_99 = arith.constant 256 : index
      %get3A_100 = vector.load %arg1[%get3A_98, %get3A_99] : memref<65x2048xbf16, #tpu.memory_space<vmem>>, vector<65x64xbf16>
      %dot_general3A_101 = arith.constant dense<0.000000e+00> : vector<64x1024xf32>
      %dot_general3A_102 = tpu.matmul %get3A_100, %convert_element_type3A, %dot_general3A_101 {dimension_numbers = #tpu.dot_dimension_numbers<[0], [0], [1], [1], [0, 1, 1, 1], [], []>, transpose_lhs_hint = false} : vector<65x64xbf16>, vector<65x1024xbf16>, vector<64x1024xf32> -> vector<64x1024xf32>
      %exp3A_103 = math.exp %dot_general3A_102 : vector<64x1024xf32>
      %slice3A_104 = vector.extract_strided_slice %exp3A_103 {offsets = [0, 0], sizes = [8, 1024], strides = [1, 1]} : vector<64x1024xf32> to vector<8x1024xf32>
      %slice3A_105 = vector.extract_strided_slice %exp3A_103 {offsets = [8, 0], sizes = [8, 1024], strides = [1, 1]} : vector<64x1024xf32> to vector<8x1024xf32>
      %add3A_106 = arith.addf %slice3A_104, %slice3A_105 : vector<8x1024xf32>
      %slice3A_107 = vector.extract_strided_slice %exp3A_103 {offsets = [16, 0], sizes = [8, 1024], strides = [1, 1]} : vector<64x1024xf32> to vector<8x1024xf32>
      %slice3A_108 = vector.extract_strided_slice %exp3A_103 {offsets = [24, 0], sizes = [8, 1024], strides = [1, 1]} : vector<64x1024xf32> to vector<8x1024xf32>
      %add3A_109 = arith.addf %slice3A_107, %slice3A_108 : vector<8x1024xf32>
      %add3A_110 = arith.addf %add3A_106, %add3A_109 : vector<8x1024xf32>
      %slice3A_111 = vector.extract_strided_slice %exp3A_103 {offsets = [32, 0], sizes = [8, 1024], strides = [1, 1]} : vector<64x1024xf32> to vector<8x1024xf32>
      %slice3A_112 = vector.extract_strided_slice %exp3A_103 {offsets = [40, 0], sizes = [8, 1024], strides = [1, 1]} : vector<64x1024xf32> to vector<8x1024xf32>
      %add3A_113 = arith.addf %slice3A_111, %slice3A_112 : vector<8x1024xf32>
      %slice3A_114 = vector.extract_strided_slice %exp3A_103 {offsets = [48, 0], sizes = [8, 1024], strides = [1, 1]} : vector<64x1024xf32> to vector<8x1024xf32>
      %slice3A_115 = vector.extract_strided_slice %exp3A_103 {offsets = [56, 0], sizes = [8, 1024], strides = [1, 1]} : vector<64x1024xf32> to vector<8x1024xf32>
      %add3A_116 = arith.addf %slice3A_114, %slice3A_115 : vector<8x1024xf32>
      %add3A_117 = arith.addf %add3A_113, %add3A_116 : vector<8x1024xf32>
      %add3A_118 = arith.addf %add3A_110, %add3A_117 : vector<8x1024xf32>
      %add3A_119 = arith.addf %add3A_97, %add3A_118 : vector<8x1024xf32>
      %get3A_120 = arith.constant 0 : index
      %get3A_121 = arith.constant 320 : index
      %get3A_122 = vector.load %arg1[%get3A_120, %get3A_121] : memref<65x2048xbf16, #tpu.memory_space<vmem>>, vector<65x64xbf16>
      %dot_general3A_123 = arith.constant dense<0.000000e+00> : vector<64x1024xf32>
      %dot_general3A_124 = tpu.matmul %get3A_122, %convert_element_type3A, %dot_general3A_123 {dimension_numbers = #tpu.dot_dimension_numbers<[0], [0], [1], [1], [0, 1, 1, 1], [], []>, transpose_lhs_hint = false} : vector<65x64xbf16>, vector<65x1024xbf16>, vector<64x1024xf32> -> vector<64x1024xf32>
      %exp3A_125 = math.exp %dot_general3A_124 : vector<64x1024xf32>
      %slice3A_126 = vector.extract_strided_slice %exp3A_125 {offsets = [0, 0], sizes = [8, 1024], strides = [1, 1]} : vector<64x1024xf32> to vector<8x1024xf32>
      %slice3A_127 = vector.extract_strided_slice %exp3A_125 {offsets = [8, 0], sizes = [8, 1024], strides = [1, 1]} : vector<64x1024xf32> to vector<8x1024xf32>
      %add3A_128 = arith.addf %slice3A_126, %slice3A_127 : vector<8x1024xf32>
      %slice3A_129 = vector.extract_strided_slice %exp3A_125 {offsets = [16, 0], sizes = [8, 1024], strides = [1, 1]} : vector<64x1024xf32> to vector<8x1024xf32>
      %slice3A_130 = vector.extract_strided_slice %exp3A_125 {offsets = [24, 0], sizes = [8, 1024], strides = [1, 1]} : vector<64x1024xf32> to vector<8x1024xf32>
      %add3A_131 = arith.addf %slice3A_129, %slice3A_130 : vector<8x1024xf32>
      %add3A_132 = arith.addf %add3A_128, %add3A_131 : vector<8x1024xf32>
      %slice3A_133 = vector.extract_strided_slice %exp3A_125 {offsets = [32, 0], sizes = [8, 1024], strides = [1, 1]} : vector<64x1024xf32> to vector<8x1024xf32>
      %slice3A_134 = vector.extract_strided_slice %exp3A_125 {offsets = [40, 0], sizes = [8, 1024], strides = [1, 1]} : vector<64x1024xf32> to vector<8x1024xf32>
      %add3A_135 = arith.addf %slice3A_133, %slice3A_134 : vector<8x1024xf32>
      %slice3A_136 = vector.extract_strided_slice %exp3A_125 {offsets = [48, 0], sizes = [8, 1024], strides = [1, 1]} : vector<64x1024xf32> to vector<8x1024xf32>
      %slice3A_137 = vector.extract_strided_slice %exp3A_125 {offsets = [56, 0], sizes = [8, 1024], strides = [1, 1]} : vector<64x1024xf32> to vector<8x1024xf32>
      %add3A_138 = arith.addf %slice3A_136, %slice3A_137 : vector<8x1024xf32>
      %add3A_139 = arith.addf %add3A_135, %add3A_138 : vector<8x1024xf32>
      %add3A_140 = arith.addf %add3A_132, %add3A_139 : vector<8x1024xf32>
      %add3A_141 = arith.addf %add3A_119, %add3A_140 : vector<8x1024xf32>
      %get3A_142 = arith.constant 0 : index
      %get3A_143 = arith.constant 384 : index
      %get3A_144 = vector.load %arg1[%get3A_142, %get3A_143] : memref<65x2048xbf16, #tpu.memory_space<vmem>>, vector<65x64xbf16>
      %dot_general3A_145 = arith.constant dense<0.000000e+00> : vector<64x1024xf32>
      %dot_general3A_146 = tpu.matmul %get3A_144, %convert_element_type3A, %dot_general3A_145 {dimension_numbers = #tpu.dot_dimension_numbers<[0], [0], [1], [1], [0, 1, 1, 1], [], []>, transpose_lhs_hint = false} : vector<65x64xbf16>, vector<65x1024xbf16>, vector<64x1024xf32> -> vector<64x1024xf32>
      %exp3A_147 = math.exp %dot_general3A_146 : vector<64x1024xf32>
      %slice3A_148 = vector.extract_strided_slice %exp3A_147 {offsets = [0, 0], sizes = [8, 1024], strides = [1, 1]} : vector<64x1024xf32> to vector<8x1024xf32>
      %slice3A_149 = vector.extract_strided_slice %exp3A_147 {offsets = [8, 0], sizes = [8, 1024], strides = [1, 1]} : vector<64x1024xf32> to vector<8x1024xf32>
      %add3A_150 = arith.addf %slice3A_148, %slice3A_149 : vector<8x1024xf32>
      %slice3A_151 = vector.extract_strided_slice %exp3A_147 {offsets = [16, 0], sizes = [8, 1024], strides = [1, 1]} : vector<64x1024xf32> to vector<8x1024xf32>
      %slice3A_152 = vector.extract_strided_slice %exp3A_147 {offsets = [24, 0], sizes = [8, 1024], strides = [1, 1]} : vector<64x1024xf32> to vector<8x1024xf32>
      %add3A_153 = arith.addf %slice3A_151, %slice3A_152 : vector<8x1024xf32>
      %add3A_154 = arith.addf %add3A_150, %add3A_153 : vector<8x1024xf32>
      %slice3A_155 = vector.extract_strided_slice %exp3A_147 {offsets = [32, 0], sizes = [8, 1024], strides = [1, 1]} : vector<64x1024xf32> to vector<8x1024xf32>
      %slice3A_156 = vector.extract_strided_slice %exp3A_147 {offsets = [40, 0], sizes = [8, 1024], strides = [1, 1]} : vector<64x1024xf32> to vector<8x1024xf32>
      %add3A_157 = arith.addf %slice3A_155, %slice3A_156 : vector<8x1024xf32>
      %slice3A_158 = vector.extract_strided_slice %exp3A_147 {offsets = [48, 0], sizes = [8, 1024], strides = [1, 1]} : vector<64x1024xf32> to vector<8x1024xf32>
      %slice3A_159 = vector.extract_strided_slice %exp3A_147 {offsets = [56, 0], sizes = [8, 1024], strides = [1, 1]} : vector<64x1024xf32> to vector<8x1024xf32>
      %add3A_160 = arith.addf %slice3A_158, %slice3A_159 : vector<8x1024xf32>
      %add3A_161 = arith.addf %add3A_157, %add3A_160 : vector<8x1024xf32>
      %add3A_162 = arith.addf %add3A_154, %add3A_161 : vector<8x1024xf32>
      %add3A_163 = arith.addf %add3A_141, %add3A_162 : vector<8x1024xf32>
      %get3A_164 = arith.constant 0 : index
      %get3A_165 = arith.constant 448 : index
      %get3A_166 = vector.load %arg1[%get3A_164, %get3A_165] : memref<65x2048xbf16, #tpu.memory_space<vmem>>, vector<65x64xbf16>
      %dot_general3A_167 = arith.constant dense<0.000000e+00> : vector<64x1024xf32>
      %dot_general3A_168 = tpu.matmul %get3A_166, %convert_element_type3A, %dot_general3A_167 {dimension_numbers = #tpu.dot_dimension_numbers<[0], [0], [1], [1], [0, 1, 1, 1], [], []>, transpose_lhs_hint = false} : vector<65x64xbf16>, vector<65x1024xbf16>, vector<64x1024xf32> -> vector<64x1024xf32>
      %exp3A_169 = math.exp %dot_general3A_168 : vector<64x1024xf32>
      %slice3A_170 = vector.extract_strided_slice %exp3A_169 {offsets = [0, 0], sizes = [8, 1024], strides = [1, 1]} : vector<64x1024xf32> to vector<8x1024xf32>
      %slice3A_171 = vector.extract_strided_slice %exp3A_169 {offsets = [8, 0], sizes = [8, 1024], strides = [1, 1]} : vector<64x1024xf32> to vector<8x1024xf32>
      %add3A_172 = arith.addf %slice3A_170, %slice3A_171 : vector<8x1024xf32>
      %slice3A_173 = vector.extract_strided_slice %exp3A_169 {offsets = [16, 0], sizes = [8, 1024], strides = [1, 1]} : vector<64x1024xf32> to vector<8x1024xf32>
      %slice3A_174 = vector.extract_strided_slice %exp3A_169 {offsets = [24, 0], sizes = [8, 1024], strides = [1, 1]} : vector<64x1024xf32> to vector<8x1024xf32>
      %add3A_175 = arith.addf %slice3A_173, %slice3A_174 : vector<8x1024xf32>
      %add3A_176 = arith.addf %add3A_172, %add3A_175 : vector<8x1024xf32>
      %slice3A_177 = vector.extract_strided_slice %exp3A_169 {offsets = [32, 0], sizes = [8, 1024], strides = [1, 1]} : vector<64x1024xf32> to vector<8x1024xf32>
      %slice3A_178 = vector.extract_strided_slice %exp3A_169 {offsets = [40, 0], sizes = [8, 1024], strides = [1, 1]} : vector<64x1024xf32> to vector<8x1024xf32>
      %add3A_179 = arith.addf %slice3A_177, %slice3A_178 : vector<8x1024xf32>
      %slice3A_180 = vector.extract_strided_slice %exp3A_169 {offsets = [48, 0], sizes = [8, 1024], strides = [1, 1]} : vector<64x1024xf32> to vector<8x1024xf32>
      %slice3A_181 = vector.extract_strided_slice %exp3A_169 {offsets = [56, 0], sizes = [8, 1024], strides = [1, 1]} : vector<64x1024xf32> to vector<8x1024xf32>
      %add3A_182 = arith.addf %slice3A_180, %slice3A_181 : vector<8x1024xf32>
      %add3A_183 = arith.addf %add3A_179, %add3A_182 : vector<8x1024xf32>
      %add3A_184 = arith.addf %add3A_176, %add3A_183 : vector<8x1024xf32>
      %add3A_185 = arith.addf %add3A_163, %add3A_184 : vector<8x1024xf32>
      %get3A_186 = arith.constant 0 : index
      %get3A_187 = arith.constant 512 : index
      %get3A_188 = vector.load %arg1[%get3A_186, %get3A_187] : memref<65x2048xbf16, #tpu.memory_space<vmem>>, vector<65x64xbf16>
      %dot_general3A_189 = arith.constant dense<0.000000e+00> : vector<64x1024xf32>
      %dot_general3A_190 = tpu.matmul %get3A_188, %convert_element_type3A, %dot_general3A_189 {dimension_numbers = #tpu.dot_dimension_numbers<[0], [0], [1], [1], [0, 1, 1, 1], [], []>, transpose_lhs_hint = false} : vector<65x64xbf16>, vector<65x1024xbf16>, vector<64x1024xf32> -> vector<64x1024xf32>
      %exp3A_191 = math.exp %dot_general3A_190 : vector<64x1024xf32>
      %slice3A_192 = vector.extract_strided_slice %exp3A_191 {offsets = [0, 0], sizes = [8, 1024], strides = [1, 1]} : vector<64x1024xf32> to vector<8x1024xf32>
      %slice3A_193 = vector.extract_strided_slice %exp3A_191 {offsets = [8, 0], sizes = [8, 1024], strides = [1, 1]} : vector<64x1024xf32> to vector<8x1024xf32>
      %add3A_194 = arith.addf %slice3A_192, %slice3A_193 : vector<8x1024xf32>
      %slice3A_195 = vector.extract_strided_slice %exp3A_191 {offsets = [16, 0], sizes = [8, 1024], strides = [1, 1]} : vector<64x1024xf32> to vector<8x1024xf32>
      %slice3A_196 = vector.extract_strided_slice %exp3A_191 {offsets = [24, 0], sizes = [8, 1024], strides = [1, 1]} : vector<64x1024xf32> to vector<8x1024xf32>
      %add3A_197 = arith.addf %slice3A_195, %slice3A_196 : vector<8x1024xf32>
      %add3A_198 = arith.addf %add3A_194, %add3A_197 : vector<8x1024xf32>
      %slice3A_199 = vector.extract_strided_slice %exp3A_191 {offsets = [32, 0], sizes = [8, 1024], strides = [1, 1]} : vector<64x1024xf32> to vector<8x1024xf32>
      %slice3A_200 = vector.extract_strided_slice %exp3A_191 {offsets = [40, 0], sizes = [8, 1024], strides = [1, 1]} : vector<64x1024xf32> to vector<8x1024xf32>
      %add3A_201 = arith.addf %slice3A_199, %slice3A_200 : vector<8x1024xf32>
      %slice3A_202 = vector.extract_strided_slice %exp3A_191 {offsets = [48, 0], sizes = [8, 1024], strides = [1, 1]} : vector<64x1024xf32> to vector<8x1024xf32>
      %slice3A_203 = vector.extract_strided_slice %exp3A_191 {offsets = [56, 0], sizes = [8, 1024], strides = [1, 1]} : vector<64x1024xf32> to vector<8x1024xf32>
      %add3A_204 = arith.addf %slice3A_202, %slice3A_203 : vector<8x1024xf32>
      %add3A_205 = arith.addf %add3A_201, %add3A_204 : vector<8x1024xf32>
      %add3A_206 = arith.addf %add3A_198, %add3A_205 : vector<8x1024xf32>
      %add3A_207 = arith.addf %add3A_185, %add3A_206 : vector<8x1024xf32>
      %get3A_208 = arith.constant 0 : index
      %get3A_209 = arith.constant 576 : index
      %get3A_210 = vector.load %arg1[%get3A_208, %get3A_209] : memref<65x2048xbf16, #tpu.memory_space<vmem>>, vector<65x64xbf16>
      %dot_general3A_211 = arith.constant dense<0.000000e+00> : vector<64x1024xf32>
      %dot_general3A_212 = tpu.matmul %get3A_210, %convert_element_type3A, %dot_general3A_211 {dimension_numbers = #tpu.dot_dimension_numbers<[0], [0], [1], [1], [0, 1, 1, 1], [], []>, transpose_lhs_hint = false} : vector<65x64xbf16>, vector<65x1024xbf16>, vector<64x1024xf32> -> vector<64x1024xf32>
      %exp3A_213 = math.exp %dot_general3A_212 : vector<64x1024xf32>
      %slice3A_214 = vector.extract_strided_slice %exp3A_213 {offsets = [0, 0], sizes = [8, 1024], strides = [1, 1]} : vector<64x1024xf32> to vector<8x1024xf32>
      %slice3A_215 = vector.extract_strided_slice %exp3A_213 {offsets = [8, 0], sizes = [8, 1024], strides = [1, 1]} : vector<64x1024xf32> to vector<8x1024xf32>
      %add3A_216 = arith.addf %slice3A_214, %slice3A_215 : vector<8x1024xf32>
      %slice3A_217 = vector.extract_strided_slice %exp3A_213 {offsets = [16, 0], sizes = [8, 1024], strides = [1, 1]} : vector<64x1024xf32> to vector<8x1024xf32>
      %slice3A_218 = vector.extract_strided_slice %exp3A_213 {offsets = [24, 0], sizes = [8, 1024], strides = [1, 1]} : vector<64x1024xf32> to vector<8x1024xf32>
      %add3A_219 = arith.addf %slice3A_217, %slice3A_218 : vector<8x1024xf32>
      %add3A_220 = arith.addf %add3A_216, %add3A_219 : vector<8x1024xf32>
      %slice3A_221 = vector.extract_strided_slice %exp3A_213 {offsets = [32, 0], sizes = [8, 1024], strides = [1, 1]} : vector<64x1024xf32> to vector<8x1024xf32>
      %slice3A_222 = vector.extract_strided_slice %exp3A_213 {offsets = [40, 0], sizes = [8, 1024], strides = [1, 1]} : vector<64x1024xf32> to vector<8x1024xf32>
      %add3A_223 = arith.addf %slice3A_221, %slice3A_222 : vector<8x1024xf32>
      %slice3A_224 = vector.extract_strided_slice %exp3A_213 {offsets = [48, 0], sizes = [8, 1024], strides = [1, 1]} : vector<64x1024xf32> to vector<8x1024xf32>
      %slice3A_225 = vector.extract_strided_slice %exp3A_213 {offsets = [56, 0], sizes = [8, 1024], strides = [1, 1]} : vector<64x1024xf32> to vector<8x1024xf32>
      %add3A_226 = arith.addf %slice3A_224, %slice3A_225 : vector<8x1024xf32>
      %add3A_227 = arith.addf %add3A_223, %add3A_226 : vector<8x1024xf32>
      %add3A_228 = arith.addf %add3A_220, %add3A_227 : vector<8x1024xf32>
      %add3A_229 = arith.addf %add3A_207, %add3A_228 : vector<8x1024xf32>
      %get3A_230 = arith.constant 0 : index
      %get3A_231 = arith.constant 640 : index
      %get3A_232 = vector.load %arg1[%get3A_230, %get3A_231] : memref<65x2048xbf16, #tpu.memory_space<vmem>>, vector<65x64xbf16>
      %dot_general3A_233 = arith.constant dense<0.000000e+00> : vector<64x1024xf32>
      %dot_general3A_234 = tpu.matmul %get3A_232, %convert_element_type3A, %dot_general3A_233 {dimension_numbers = #tpu.dot_dimension_numbers<[0], [0], [1], [1], [0, 1, 1, 1], [], []>, transpose_lhs_hint = false} : vector<65x64xbf16>, vector<65x1024xbf16>, vector<64x1024xf32> -> vector<64x1024xf32>
      %exp3A_235 = math.exp %dot_general3A_234 : vector<64x1024xf32>
      %slice3A_236 = vector.extract_strided_slice %exp3A_235 {offsets = [0, 0], sizes = [8, 1024], strides = [1, 1]} : vector<64x1024xf32> to vector<8x1024xf32>
      %slice3A_237 = vector.extract_strided_slice %exp3A_235 {offsets = [8, 0], sizes = [8, 1024], strides = [1, 1]} : vector<64x1024xf32> to vector<8x1024xf32>
      %add3A_238 = arith.addf %slice3A_236, %slice3A_237 : vector<8x1024xf32>
      %slice3A_239 = vector.extract_strided_slice %exp3A_235 {offsets = [16, 0], sizes = [8, 1024], strides = [1, 1]} : vector<64x1024xf32> to vector<8x1024xf32>
      %slice3A_240 = vector.extract_strided_slice %exp3A_235 {offsets = [24, 0], sizes = [8, 1024], strides = [1, 1]} : vector<64x1024xf32> to vector<8x1024xf32>
      %add3A_241 = arith.addf %slice3A_239, %slice3A_240 : vector<8x1024xf32>
      %add3A_242 = arith.addf %add3A_238, %add3A_241 : vector<8x1024xf32>
      %slice3A_243 = vector.extract_strided_slice %exp3A_235 {offsets = [32, 0], sizes = [8, 1024], strides = [1, 1]} : vector<64x1024xf32> to vector<8x1024xf32>
      %slice3A_244 = vector.extract_strided_slice %exp3A_235 {offsets = [40, 0], sizes = [8, 1024], strides = [1, 1]} : vector<64x1024xf32> to vector<8x1024xf32>
      %add3A_245 = arith.addf %slice3A_243, %slice3A_244 : vector<8x1024xf32>
      %slice3A_246 = vector.extract_strided_slice %exp3A_235 {offsets = [48, 0], sizes = [8, 1024], strides = [1, 1]} : vector<64x1024xf32> to vector<8x1024xf32>
      %slice3A_247 = vector.extract_strided_slice %exp3A_235 {offsets = [56, 0], sizes = [8, 1024], strides = [1, 1]} : vector<64x1024xf32> to vector<8x1024xf32>
      %add3A_248 = arith.addf %slice3A_246, %slice3A_247 : vector<8x1024xf32>
      %add3A_249 = arith.addf %add3A_245, %add3A_248 : vector<8x1024xf32>
      %add3A_250 = arith.addf %add3A_242, %add3A_249 : vector<8x1024xf32>
      %add3A_251 = arith.addf %add3A_229, %add3A_250 : vector<8x1024xf32>
      %get3A_252 = arith.constant 0 : index
      %get3A_253 = arith.constant 704 : index
      %get3A_254 = vector.load %arg1[%get3A_252, %get3A_253] : memref<65x2048xbf16, #tpu.memory_space<vmem>>, vector<65x64xbf16>
      %dot_general3A_255 = arith.constant dense<0.000000e+00> : vector<64x1024xf32>
      %dot_general3A_256 = tpu.matmul %get3A_254, %convert_element_type3A, %dot_general3A_255 {dimension_numbers = #tpu.dot_dimension_numbers<[0], [0], [1], [1], [0, 1, 1, 1], [], []>, transpose_lhs_hint = false} : vector<65x64xbf16>, vector<65x1024xbf16>, vector<64x1024xf32> -> vector<64x1024xf32>
      %exp3A_257 = math.exp %dot_general3A_256 : vector<64x1024xf32>
      %slice3A_258 = vector.extract_strided_slice %exp3A_257 {offsets = [0, 0], sizes = [8, 1024], strides = [1, 1]} : vector<64x1024xf32> to vector<8x1024xf32>
      %slice3A_259 = vector.extract_strided_slice %exp3A_257 {offsets = [8, 0], sizes = [8, 1024], strides = [1, 1]} : vector<64x1024xf32> to vector<8x1024xf32>
      %add3A_260 = arith.addf %slice3A_258, %slice3A_259 : vector<8x1024xf32>
      %slice3A_261 = vector.extract_strided_slice %exp3A_257 {offsets = [16, 0], sizes = [8, 1024], strides = [1, 1]} : vector<64x1024xf32> to vector<8x1024xf32>
      %slice3A_262 = vector.extract_strided_slice %exp3A_257 {offsets = [24, 0], sizes = [8, 1024], strides = [1, 1]} : vector<64x1024xf32> to vector<8x1024xf32>
      %add3A_263 = arith.addf %slice3A_261, %slice3A_262 : vector<8x1024xf32>
      %add3A_264 = arith.addf %add3A_260, %add3A_263 : vector<8x1024xf32>
      %slice3A_265 = vector.extract_strided_slice %exp3A_257 {offsets = [32, 0], sizes = [8, 1024], strides = [1, 1]} : vector<64x1024xf32> to vector<8x1024xf32>
      %slice3A_266 = vector.extract_strided_slice %exp3A_257 {offsets = [40, 0], sizes = [8, 1024], strides = [1, 1]} : vector<64x1024xf32> to vector<8x1024xf32>
      %add3A_267 = arith.addf %slice3A_265, %slice3A_266 : vector<8x1024xf32>
      %slice3A_268 = vector.extract_strided_slice %exp3A_257 {offsets = [48, 0], sizes = [8, 1024], strides = [1, 1]} : vector<64x1024xf32> to vector<8x1024xf32>
      %slice3A_269 = vector.extract_strided_slice %exp3A_257 {offsets = [56, 0], sizes = [8, 1024], strides = [1, 1]} : vector<64x1024xf32> to vector<8x1024xf32>
      %add3A_270 = arith.addf %slice3A_268, %slice3A_269 : vector<8x1024xf32>
      %add3A_271 = arith.addf %add3A_267, %add3A_270 : vector<8x1024xf32>
      %add3A_272 = arith.addf %add3A_264, %add3A_271 : vector<8x1024xf32>
      %add3A_273 = arith.addf %add3A_251, %add3A_272 : vector<8x1024xf32>
      %get3A_274 = arith.constant 0 : index
      %get3A_275 = arith.constant 768 : index
      %get3A_276 = vector.load %arg1[%get3A_274, %get3A_275] : memref<65x2048xbf16, #tpu.memory_space<vmem>>, vector<65x64xbf16>
      %dot_general3A_277 = arith.constant dense<0.000000e+00> : vector<64x1024xf32>
      %dot_general3A_278 = tpu.matmul %get3A_276, %convert_element_type3A, %dot_general3A_277 {dimension_numbers = #tpu.dot_dimension_numbers<[0], [0], [1], [1], [0, 1, 1, 1], [], []>, transpose_lhs_hint = false} : vector<65x64xbf16>, vector<65x1024xbf16>, vector<64x1024xf32> -> vector<64x1024xf32>
      %exp3A_279 = math.exp %dot_general3A_278 : vector<64x1024xf32>
      %slice3A_280 = vector.extract_strided_slice %exp3A_279 {offsets = [0, 0], sizes = [8, 1024], strides = [1, 1]} : vector<64x1024xf32> to vector<8x1024xf32>
      %slice3A_281 = vector.extract_strided_slice %exp3A_279 {offsets = [8, 0], sizes = [8, 1024], strides = [1, 1]} : vector<64x1024xf32> to vector<8x1024xf32>
      %add3A_282 = arith.addf %slice3A_280, %slice3A_281 : vector<8x1024xf32>
      %slice3A_283 = vector.extract_strided_slice %exp3A_279 {offsets = [16, 0], sizes = [8, 1024], strides = [1, 1]} : vector<64x1024xf32> to vector<8x1024xf32>
      %slice3A_284 = vector.extract_strided_slice %exp3A_279 {offsets = [24, 0], sizes = [8, 1024], strides = [1, 1]} : vector<64x1024xf32> to vector<8x1024xf32>
      %add3A_285 = arith.addf %slice3A_283, %slice3A_284 : vector<8x1024xf32>
      %add3A_286 = arith.addf %add3A_282, %add3A_285 : vector<8x1024xf32>
      %slice3A_287 = vector.extract_strided_slice %exp3A_279 {offsets = [32, 0], sizes = [8, 1024], strides = [1, 1]} : vector<64x1024xf32> to vector<8x1024xf32>
      %slice3A_288 = vector.extract_strided_slice %exp3A_279 {offsets = [40, 0], sizes = [8, 1024], strides = [1, 1]} : vector<64x1024xf32> to vector<8x1024xf32>
      %add3A_289 = arith.addf %slice3A_287, %slice3A_288 : vector<8x1024xf32>
      %slice3A_290 = vector.extract_strided_slice %exp3A_279 {offsets = [48, 0], sizes = [8, 1024], strides = [1, 1]} : vector<64x1024xf32> to vector<8x1024xf32>
      %slice3A_291 = vector.extract_strided_slice %exp3A_279 {offsets = [56, 0], sizes = [8, 1024], strides = [1, 1]} : vector<64x1024xf32> to vector<8x1024xf32>
      %add3A_292 = arith.addf %slice3A_290, %slice3A_291 : vector<8x1024xf32>
      %add3A_293 = arith.addf %add3A_289, %add3A_292 : vector<8x1024xf32>
      %add3A_294 = arith.addf %add3A_286, %add3A_293 : vector<8x1024xf32>
      %add3A_295 = arith.addf %add3A_273, %add3A_294 : vector<8x1024xf32>
      %get3A_296 = arith.constant 0 : index
      %get3A_297 = arith.constant 832 : index
      %get3A_298 = vector.load %arg1[%get3A_296, %get3A_297] : memref<65x2048xbf16, #tpu.memory_space<vmem>>, vector<65x64xbf16>
      %dot_general3A_299 = arith.constant dense<0.000000e+00> : vector<64x1024xf32>
      %dot_general3A_300 = tpu.matmul %get3A_298, %convert_element_type3A, %dot_general3A_299 {dimension_numbers = #tpu.dot_dimension_numbers<[0], [0], [1], [1], [0, 1, 1, 1], [], []>, transpose_lhs_hint = false} : vector<65x64xbf16>, vector<65x1024xbf16>, vector<64x1024xf32> -> vector<64x1024xf32>
      %exp3A_301 = math.exp %dot_general3A_300 : vector<64x1024xf32>
      %slice3A_302 = vector.extract_strided_slice %exp3A_301 {offsets = [0, 0], sizes = [8, 1024], strides = [1, 1]} : vector<64x1024xf32> to vector<8x1024xf32>
      %slice3A_303 = vector.extract_strided_slice %exp3A_301 {offsets = [8, 0], sizes = [8, 1024], strides = [1, 1]} : vector<64x1024xf32> to vector<8x1024xf32>
      %add3A_304 = arith.addf %slice3A_302, %slice3A_303 : vector<8x1024xf32>
      %slice3A_305 = vector.extract_strided_slice %exp3A_301 {offsets = [16, 0], sizes = [8, 1024], strides = [1, 1]} : vector<64x1024xf32> to vector<8x1024xf32>
      %slice3A_306 = vector.extract_strided_slice %exp3A_301 {offsets = [24, 0], sizes = [8, 1024], strides = [1, 1]} : vector<64x1024xf32> to vector<8x1024xf32>
      %add3A_307 = arith.addf %slice3A_305, %slice3A_306 : vector<8x1024xf32>
      %add3A_308 = arith.addf %add3A_304, %add3A_307 : vector<8x1024xf32>
      %slice3A_309 = vector.extract_strided_slice %exp3A_301 {offsets = [32, 0], sizes = [8, 1024], strides = [1, 1]} : vector<64x1024xf32> to vector<8x1024xf32>
      %slice3A_310 = vector.extract_strided_slice %exp3A_301 {offsets = [40, 0], sizes = [8, 1024], strides = [1, 1]} : vector<64x1024xf32> to vector<8x1024xf32>
      %add3A_311 = arith.addf %slice3A_309, %slice3A_310 : vector<8x1024xf32>
      %slice3A_312 = vector.extract_strided_slice %exp3A_301 {offsets = [48, 0], sizes = [8, 1024], strides = [1, 1]} : vector<64x1024xf32> to vector<8x1024xf32>
      %slice3A_313 = vector.extract_strided_slice %exp3A_301 {offsets = [56, 0], sizes = [8, 1024], strides = [1, 1]} : vector<64x1024xf32> to vector<8x1024xf32>
      %add3A_314 = arith.addf %slice3A_312, %slice3A_313 : vector<8x1024xf32>
      %add3A_315 = arith.addf %add3A_311, %add3A_314 : vector<8x1024xf32>
      %add3A_316 = arith.addf %add3A_308, %add3A_315 : vector<8x1024xf32>
      %add3A_317 = arith.addf %add3A_295, %add3A_316 : vector<8x1024xf32>
      %get3A_318 = arith.constant 0 : index
      %get3A_319 = arith.constant 896 : index
      %get3A_320 = vector.load %arg1[%get3A_318, %get3A_319] : memref<65x2048xbf16, #tpu.memory_space<vmem>>, vector<65x64xbf16>
      %dot_general3A_321 = arith.constant dense<0.000000e+00> : vector<64x1024xf32>
      %dot_general3A_322 = tpu.matmul %get3A_320, %convert_element_type3A, %dot_general3A_321 {dimension_numbers = #tpu.dot_dimension_numbers<[0], [0], [1], [1], [0, 1, 1, 1], [], []>, transpose_lhs_hint = false} : vector<65x64xbf16>, vector<65x1024xbf16>, vector<64x1024xf32> -> vector<64x1024xf32>
      %exp3A_323 = math.exp %dot_general3A_322 : vector<64x1024xf32>
      %slice3A_324 = vector.extract_strided_slice %exp3A_323 {offsets = [0, 0], sizes = [8, 1024], strides = [1, 1]} : vector<64x1024xf32> to vector<8x1024xf32>
      %slice3A_325 = vector.extract_strided_slice %exp3A_323 {offsets = [8, 0], sizes = [8, 1024], strides = [1, 1]} : vector<64x1024xf32> to vector<8x1024xf32>
      %add3A_326 = arith.addf %slice3A_324, %slice3A_325 : vector<8x1024xf32>
      %slice3A_327 = vector.extract_strided_slice %exp3A_323 {offsets = [16, 0], sizes = [8, 1024], strides = [1, 1]} : vector<64x1024xf32> to vector<8x1024xf32>
      %slice3A_328 = vector.extract_strided_slice %exp3A_323 {offsets = [24, 0], sizes = [8, 1024], strides = [1, 1]} : vector<64x1024xf32> to vector<8x1024xf32>
      %add3A_329 = arith.addf %slice3A_327, %slice3A_328 : vector<8x1024xf32>
      %add3A_330 = arith.addf %add3A_326, %add3A_329 : vector<8x1024xf32>
      %slice3A_331 = vector.extract_strided_slice %exp3A_323 {offsets = [32, 0], sizes = [8, 1024], strides = [1, 1]} : vector<64x1024xf32> to vector<8x1024xf32>
      %slice3A_332 = vector.extract_strided_slice %exp3A_323 {offsets = [40, 0], sizes = [8, 1024], strides = [1, 1]} : vector<64x1024xf32> to vector<8x1024xf32>
      %add3A_333 = arith.addf %slice3A_331, %slice3A_332 : vector<8x1024xf32>
      %slice3A_334 = vector.extract_strided_slice %exp3A_323 {offsets = [48, 0], sizes = [8, 1024], strides = [1, 1]} : vector<64x1024xf32> to vector<8x1024xf32>
      %slice3A_335 = vector.extract_strided_slice %exp3A_323 {offsets = [56, 0], sizes = [8, 1024], strides = [1, 1]} : vector<64x1024xf32> to vector<8x1024xf32>
      %add3A_336 = arith.addf %slice3A_334, %slice3A_335 : vector<8x1024xf32>
      %add3A_337 = arith.addf %add3A_333, %add3A_336 : vector<8x1024xf32>
      %add3A_338 = arith.addf %add3A_330, %add3A_337 : vector<8x1024xf32>
      %add3A_339 = arith.addf %add3A_317, %add3A_338 : vector<8x1024xf32>
      %get3A_340 = arith.constant 0 : index
      %get3A_341 = arith.constant 960 : index
      %get3A_342 = vector.load %arg1[%get3A_340, %get3A_341] : memref<65x2048xbf16, #tpu.memory_space<vmem>>, vector<65x64xbf16>
      %dot_general3A_343 = arith.constant dense<0.000000e+00> : vector<64x1024xf32>
      %dot_general3A_344 = tpu.matmul %get3A_342, %convert_element_type3A, %dot_general3A_343 {dimension_numbers = #tpu.dot_dimension_numbers<[0], [0], [1], [1], [0, 1, 1, 1], [], []>, transpose_lhs_hint = false} : vector<65x64xbf16>, vector<65x1024xbf16>, vector<64x1024xf32> -> vector<64x1024xf32>
      %exp3A_345 = math.exp %dot_general3A_344 : vector<64x1024xf32>
      %slice3A_346 = vector.extract_strided_slice %exp3A_345 {offsets = [0, 0], sizes = [8, 1024], strides = [1, 1]} : vector<64x1024xf32> to vector<8x1024xf32>
      %slice3A_347 = vector.extract_strided_slice %exp3A_345 {offsets = [8, 0], sizes = [8, 1024], strides = [1, 1]} : vector<64x1024xf32> to vector<8x1024xf32>
      %add3A_348 = arith.addf %slice3A_346, %slice3A_347 : vector<8x1024xf32>
      %slice3A_349 = vector.extract_strided_slice %exp3A_345 {offsets = [16, 0], sizes = [8, 1024], strides = [1, 1]} : vector<64x1024xf32> to vector<8x1024xf32>
      %slice3A_350 = vector.extract_strided_slice %exp3A_345 {offsets = [24, 0], sizes = [8, 1024], strides = [1, 1]} : vector<64x1024xf32> to vector<8x1024xf32>
      %add3A_351 = arith.addf %slice3A_349, %slice3A_350 : vector<8x1024xf32>
      %add3A_352 = arith.addf %add3A_348, %add3A_351 : vector<8x1024xf32>
      %slice3A_353 = vector.extract_strided_slice %exp3A_345 {offsets = [32, 0], sizes = [8, 1024], strides = [1, 1]} : vector<64x1024xf32> to vector<8x1024xf32>
      %slice3A_354 = vector.extract_strided_slice %exp3A_345 {offsets = [40, 0], sizes = [8, 1024], strides = [1, 1]} : vector<64x1024xf32> to vector<8x1024xf32>
      %add3A_355 = arith.addf %slice3A_353, %slice3A_354 : vector<8x1024xf32>
      %slice3A_356 = vector.extract_strided_slice %exp3A_345 {offsets = [48, 0], sizes = [8, 1024], strides = [1, 1]} : vector<64x1024xf32> to vector<8x1024xf32>
      %slice3A_357 = vector.extract_strided_slice %exp3A_345 {offsets = [56, 0], sizes = [8, 1024], strides = [1, 1]} : vector<64x1024xf32> to vector<8x1024xf32>
      %add3A_358 = arith.addf %slice3A_356, %slice3A_357 : vector<8x1024xf32>
      %add3A_359 = arith.addf %add3A_355, %add3A_358 : vector<8x1024xf32>
      %add3A_360 = arith.addf %add3A_352, %add3A_359 : vector<8x1024xf32>
      %add3A_361 = arith.addf %add3A_339, %add3A_360 : vector<8x1024xf32>
      %get3A_362 = arith.constant 0 : index
      %get3A_363 = arith.constant 1024 : index
      %get3A_364 = vector.load %arg1[%get3A_362, %get3A_363] : memref<65x2048xbf16, #tpu.memory_space<vmem>>, vector<65x64xbf16>
      %dot_general3A_365 = arith.constant dense<0.000000e+00> : vector<64x1024xf32>
      %dot_general3A_366 = tpu.matmul %get3A_364, %convert_element_type3A, %dot_general3A_365 {dimension_numbers = #tpu.dot_dimension_numbers<[0], [0], [1], [1], [0, 1, 1, 1], [], []>, transpose_lhs_hint = false} : vector<65x64xbf16>, vector<65x1024xbf16>, vector<64x1024xf32> -> vector<64x1024xf32>
      %exp3A_367 = math.exp %dot_general3A_366 : vector<64x1024xf32>
      %slice3A_368 = vector.extract_strided_slice %exp3A_367 {offsets = [0, 0], sizes = [8, 1024], strides = [1, 1]} : vector<64x1024xf32> to vector<8x1024xf32>
      %slice3A_369 = vector.extract_strided_slice %exp3A_367 {offsets = [8, 0], sizes = [8, 1024], strides = [1, 1]} : vector<64x1024xf32> to vector<8x1024xf32>
      %add3A_370 = arith.addf %slice3A_368, %slice3A_369 : vector<8x1024xf32>
      %slice3A_371 = vector.extract_strided_slice %exp3A_367 {offsets = [16, 0], sizes = [8, 1024], strides = [1, 1]} : vector<64x1024xf32> to vector<8x1024xf32>
      %slice3A_372 = vector.extract_strided_slice %exp3A_367 {offsets = [24, 0], sizes = [8, 1024], strides = [1, 1]} : vector<64x1024xf32> to vector<8x1024xf32>
      %add3A_373 = arith.addf %slice3A_371, %slice3A_372 : vector<8x1024xf32>
      %add3A_374 = arith.addf %add3A_370, %add3A_373 : vector<8x1024xf32>
      %slice3A_375 = vector.extract_strided_slice %exp3A_367 {offsets = [32, 0], sizes = [8, 1024], strides = [1, 1]} : vector<64x1024xf32> to vector<8x1024xf32>
      %slice3A_376 = vector.extract_strided_slice %exp3A_367 {offsets = [40, 0], sizes = [8, 1024], strides = [1, 1]} : vector<64x1024xf32> to vector<8x1024xf32>
      %add3A_377 = arith.addf %slice3A_375, %slice3A_376 : vector<8x1024xf32>
      %slice3A_378 = vector.extract_strided_slice %exp3A_367 {offsets = [48, 0], sizes = [8, 1024], strides = [1, 1]} : vector<64x1024xf32> to vector<8x1024xf32>
      %slice3A_379 = vector.extract_strided_slice %exp3A_367 {offsets = [56, 0], sizes = [8, 1024], strides = [1, 1]} : vector<64x1024xf32> to vector<8x1024xf32>
      %add3A_380 = arith.addf %slice3A_378, %slice3A_379 : vector<8x1024xf32>
      %add3A_381 = arith.addf %add3A_377, %add3A_380 : vector<8x1024xf32>
      %add3A_382 = arith.addf %add3A_374, %add3A_381 : vector<8x1024xf32>
      %add3A_383 = arith.addf %add3A_361, %add3A_382 : vector<8x1024xf32>
      %get3A_384 = arith.constant 0 : index
      %get3A_385 = arith.constant 1088 : index
      %get3A_386 = vector.load %arg1[%get3A_384, %get3A_385] : memref<65x2048xbf16, #tpu.memory_space<vmem>>, vector<65x64xbf16>
      %dot_general3A_387 = arith.constant dense<0.000000e+00> : vector<64x1024xf32>
      %dot_general3A_388 = tpu.matmul %get3A_386, %convert_element_type3A, %dot_general3A_387 {dimension_numbers = #tpu.dot_dimension_numbers<[0], [0], [1], [1], [0, 1, 1, 1], [], []>, transpose_lhs_hint = false} : vector<65x64xbf16>, vector<65x1024xbf16>, vector<64x1024xf32> -> vector<64x1024xf32>
      %exp3A_389 = math.exp %dot_general3A_388 : vector<64x1024xf32>
      %slice3A_390 = vector.extract_strided_slice %exp3A_389 {offsets = [0, 0], sizes = [8, 1024], strides = [1, 1]} : vector<64x1024xf32> to vector<8x1024xf32>
      %slice3A_391 = vector.extract_strided_slice %exp3A_389 {offsets = [8, 0], sizes = [8, 1024], strides = [1, 1]} : vector<64x1024xf32> to vector<8x1024xf32>
      %add3A_392 = arith.addf %slice3A_390, %slice3A_391 : vector<8x1024xf32>
      %slice3A_393 = vector.extract_strided_slice %exp3A_389 {offsets = [16, 0], sizes = [8, 1024], strides = [1, 1]} : vector<64x1024xf32> to vector<8x1024xf32>
      %slice3A_394 = vector.extract_strided_slice %exp3A_389 {offsets = [24, 0], sizes = [8, 1024], strides = [1, 1]} : vector<64x1024xf32> to vector<8x1024xf32>
      %add3A_395 = arith.addf %slice3A_393, %slice3A_394 : vector<8x1024xf32>
      %add3A_396 = arith.addf %add3A_392, %add3A_395 : vector<8x1024xf32>
      %slice3A_397 = vector.extract_strided_slice %exp3A_389 {offsets = [32, 0], sizes = [8, 1024], strides = [1, 1]} : vector<64x1024xf32> to vector<8x1024xf32>
      %slice3A_398 = vector.extract_strided_slice %exp3A_389 {offsets = [40, 0], sizes = [8, 1024], strides = [1, 1]} : vector<64x1024xf32> to vector<8x1024xf32>
      %add3A_399 = arith.addf %slice3A_397, %slice3A_398 : vector<8x1024xf32>
      %slice3A_400 = vector.extract_strided_slice %exp3A_389 {offsets = [48, 0], sizes = [8, 1024], strides = [1, 1]} : vector<64x1024xf32> to vector<8x1024xf32>
      %slice3A_401 = vector.extract_strided_slice %exp3A_389 {offsets = [56, 0], sizes = [8, 1024], strides = [1, 1]} : vector<64x1024xf32> to vector<8x1024xf32>
      %add3A_402 = arith.addf %slice3A_400, %slice3A_401 : vector<8x1024xf32>
      %add3A_403 = arith.addf %add3A_399, %add3A_402 : vector<8x1024xf32>
      %add3A_404 = arith.addf %add3A_396, %add3A_403 : vector<8x1024xf32>
      %add3A_405 = arith.addf %add3A_383, %add3A_404 : vector<8x1024xf32>
      %get3A_406 = arith.constant 0 : index
      %get3A_407 = arith.constant 1152 : index
      %get3A_408 = vector.load %arg1[%get3A_406, %get3A_407] : memref<65x2048xbf16, #tpu.memory_space<vmem>>, vector<65x64xbf16>
      %dot_general3A_409 = arith.constant dense<0.000000e+00> : vector<64x1024xf32>
      %dot_general3A_410 = tpu.matmul %get3A_408, %convert_element_type3A, %dot_general3A_409 {dimension_numbers = #tpu.dot_dimension_numbers<[0], [0], [1], [1], [0, 1, 1, 1], [], []>, transpose_lhs_hint = false} : vector<65x64xbf16>, vector<65x1024xbf16>, vector<64x1024xf32> -> vector<64x1024xf32>
      %exp3A_411 = math.exp %dot_general3A_410 : vector<64x1024xf32>
      %slice3A_412 = vector.extract_strided_slice %exp3A_411 {offsets = [0, 0], sizes = [8, 1024], strides = [1, 1]} : vector<64x1024xf32> to vector<8x1024xf32>
      %slice3A_413 = vector.extract_strided_slice %exp3A_411 {offsets = [8, 0], sizes = [8, 1024], strides = [1, 1]} : vector<64x1024xf32> to vector<8x1024xf32>
      %add3A_414 = arith.addf %slice3A_412, %slice3A_413 : vector<8x1024xf32>
      %slice3A_415 = vector.extract_strided_slice %exp3A_411 {offsets = [16, 0], sizes = [8, 1024], strides = [1, 1]} : vector<64x1024xf32> to vector<8x1024xf32>
      %slice3A_416 = vector.extract_strided_slice %exp3A_411 {offsets = [24, 0], sizes = [8, 1024], strides = [1, 1]} : vector<64x1024xf32> to vector<8x1024xf32>
      %add3A_417 = arith.addf %slice3A_415, %slice3A_416 : vector<8x1024xf32>
      %add3A_418 = arith.addf %add3A_414, %add3A_417 : vector<8x1024xf32>
      %slice3A_419 = vector.extract_strided_slice %exp3A_411 {offsets = [32, 0], sizes = [8, 1024], strides = [1, 1]} : vector<64x1024xf32> to vector<8x1024xf32>
      %slice3A_420 = vector.extract_strided_slice %exp3A_411 {offsets = [40, 0], sizes = [8, 1024], strides = [1, 1]} : vector<64x1024xf32> to vector<8x1024xf32>
      %add3A_421 = arith.addf %slice3A_419, %slice3A_420 : vector<8x1024xf32>
      %slice3A_422 = vector.extract_strided_slice %exp3A_411 {offsets = [48, 0], sizes = [8, 1024], strides = [1, 1]} : vector<64x1024xf32> to vector<8x1024xf32>
      %slice3A_423 = vector.extract_strided_slice %exp3A_411 {offsets = [56, 0], sizes = [8, 1024], strides = [1, 1]} : vector<64x1024xf32> to vector<8x1024xf32>
      %add3A_424 = arith.addf %slice3A_422, %slice3A_423 : vector<8x1024xf32>
      %add3A_425 = arith.addf %add3A_421, %add3A_424 : vector<8x1024xf32>
      %add3A_426 = arith.addf %add3A_418, %add3A_425 : vector<8x1024xf32>
      %add3A_427 = arith.addf %add3A_405, %add3A_426 : vector<8x1024xf32>
      %get3A_428 = arith.constant 0 : index
      %get3A_429 = arith.constant 1216 : index
      %get3A_430 = vector.load %arg1[%get3A_428, %get3A_429] : memref<65x2048xbf16, #tpu.memory_space<vmem>>, vector<65x64xbf16>
      %dot_general3A_431 = arith.constant dense<0.000000e+00> : vector<64x1024xf32>
      %dot_general3A_432 = tpu.matmul %get3A_430, %convert_element_type3A, %dot_general3A_431 {dimension_numbers = #tpu.dot_dimension_numbers<[0], [0], [1], [1], [0, 1, 1, 1], [], []>, transpose_lhs_hint = false} : vector<65x64xbf16>, vector<65x1024xbf16>, vector<64x1024xf32> -> vector<64x1024xf32>
      %exp3A_433 = math.exp %dot_general3A_432 : vector<64x1024xf32>
      %slice3A_434 = vector.extract_strided_slice %exp3A_433 {offsets = [0, 0], sizes = [8, 1024], strides = [1, 1]} : vector<64x1024xf32> to vector<8x1024xf32>
      %slice3A_435 = vector.extract_strided_slice %exp3A_433 {offsets = [8, 0], sizes = [8, 1024], strides = [1, 1]} : vector<64x1024xf32> to vector<8x1024xf32>
      %add3A_436 = arith.addf %slice3A_434, %slice3A_435 : vector<8x1024xf32>
      %slice3A_437 = vector.extract_strided_slice %exp3A_433 {offsets = [16, 0], sizes = [8, 1024], strides = [1, 1]} : vector<64x1024xf32> to vector<8x1024xf32>
      %slice3A_438 = vector.extract_strided_slice %exp3A_433 {offsets = [24, 0], sizes = [8, 1024], strides = [1, 1]} : vector<64x1024xf32> to vector<8x1024xf32>
      %add3A_439 = arith.addf %slice3A_437, %slice3A_438 : vector<8x1024xf32>
      %add3A_440 = arith.addf %add3A_436, %add3A_439 : vector<8x1024xf32>
      %slice3A_441 = vector.extract_strided_slice %exp3A_433 {offsets = [32, 0], sizes = [8, 1024], strides = [1, 1]} : vector<64x1024xf32> to vector<8x1024xf32>
      %slice3A_442 = vector.extract_strided_slice %exp3A_433 {offsets = [40, 0], sizes = [8, 1024], strides = [1, 1]} : vector<64x1024xf32> to vector<8x1024xf32>
      %add3A_443 = arith.addf %slice3A_441, %slice3A_442 : vector<8x1024xf32>
      %slice3A_444 = vector.extract_strided_slice %exp3A_433 {offsets = [48, 0], sizes = [8, 1024], strides = [1, 1]} : vector<64x1024xf32> to vector<8x1024xf32>
      %slice3A_445 = vector.extract_strided_slice %exp3A_433 {offsets = [56, 0], sizes = [8, 1024], strides = [1, 1]} : vector<64x1024xf32> to vector<8x1024xf32>
      %add3A_446 = arith.addf %slice3A_444, %slice3A_445 : vector<8x1024xf32>
      %add3A_447 = arith.addf %add3A_443, %add3A_446 : vector<8x1024xf32>
      %add3A_448 = arith.addf %add3A_440, %add3A_447 : vector<8x1024xf32>
      %add3A_449 = arith.addf %add3A_427, %add3A_448 : vector<8x1024xf32>
      %get3A_450 = arith.constant 0 : index
      %get3A_451 = arith.constant 1280 : index
      %get3A_452 = vector.load %arg1[%get3A_450, %get3A_451] : memref<65x2048xbf16, #tpu.memory_space<vmem>>, vector<65x64xbf16>
      %dot_general3A_453 = arith.constant dense<0.000000e+00> : vector<64x1024xf32>
      %dot_general3A_454 = tpu.matmul %get3A_452, %convert_element_type3A, %dot_general3A_453 {dimension_numbers = #tpu.dot_dimension_numbers<[0], [0], [1], [1], [0, 1, 1, 1], [], []>, transpose_lhs_hint = false} : vector<65x64xbf16>, vector<65x1024xbf16>, vector<64x1024xf32> -> vector<64x1024xf32>
      %exp3A_455 = math.exp %dot_general3A_454 : vector<64x1024xf32>
      %slice3A_456 = vector.extract_strided_slice %exp3A_455 {offsets = [0, 0], sizes = [8, 1024], strides = [1, 1]} : vector<64x1024xf32> to vector<8x1024xf32>
      %slice3A_457 = vector.extract_strided_slice %exp3A_455 {offsets = [8, 0], sizes = [8, 1024], strides = [1, 1]} : vector<64x1024xf32> to vector<8x1024xf32>
      %add3A_458 = arith.addf %slice3A_456, %slice3A_457 : vector<8x1024xf32>
      %slice3A_459 = vector.extract_strided_slice %exp3A_455 {offsets = [16, 0], sizes = [8, 1024], strides = [1, 1]} : vector<64x1024xf32> to vector<8x1024xf32>
      %slice3A_460 = vector.extract_strided_slice %exp3A_455 {offsets = [24, 0], sizes = [8, 1024], strides = [1, 1]} : vector<64x1024xf32> to vector<8x1024xf32>
      %add3A_461 = arith.addf %slice3A_459, %slice3A_460 : vector<8x1024xf32>
      %add3A_462 = arith.addf %add3A_458, %add3A_461 : vector<8x1024xf32>
      %slice3A_463 = vector.extract_strided_slice %exp3A_455 {offsets = [32, 0], sizes = [8, 1024], strides = [1, 1]} : vector<64x1024xf32> to vector<8x1024xf32>
      %slice3A_464 = vector.extract_strided_slice %exp3A_455 {offsets = [40, 0], sizes = [8, 1024], strides = [1, 1]} : vector<64x1024xf32> to vector<8x1024xf32>
      %add3A_465 = arith.addf %slice3A_463, %slice3A_464 : vector<8x1024xf32>
      %slice3A_466 = vector.extract_strided_slice %exp3A_455 {offsets = [48, 0], sizes = [8, 1024], strides = [1, 1]} : vector<64x1024xf32> to vector<8x1024xf32>
      %slice3A_467 = vector.extract_strided_slice %exp3A_455 {offsets = [56, 0], sizes = [8, 1024], strides = [1, 1]} : vector<64x1024xf32> to vector<8x1024xf32>
      %add3A_468 = arith.addf %slice3A_466, %slice3A_467 : vector<8x1024xf32>
      %add3A_469 = arith.addf %add3A_465, %add3A_468 : vector<8x1024xf32>
      %add3A_470 = arith.addf %add3A_462, %add3A_469 : vector<8x1024xf32>
      %add3A_471 = arith.addf %add3A_449, %add3A_470 : vector<8x1024xf32>
      %get3A_472 = arith.constant 0 : index
      %get3A_473 = arith.constant 1344 : index
      %get3A_474 = vector.load %arg1[%get3A_472, %get3A_473] : memref<65x2048xbf16, #tpu.memory_space<vmem>>, vector<65x64xbf16>
      %dot_general3A_475 = arith.constant dense<0.000000e+00> : vector<64x1024xf32>
      %dot_general3A_476 = tpu.matmul %get3A_474, %convert_element_type3A, %dot_general3A_475 {dimension_numbers = #tpu.dot_dimension_numbers<[0], [0], [1], [1], [0, 1, 1, 1], [], []>, transpose_lhs_hint = false} : vector<65x64xbf16>, vector<65x1024xbf16>, vector<64x1024xf32> -> vector<64x1024xf32>
      %exp3A_477 = math.exp %dot_general3A_476 : vector<64x1024xf32>
      %slice3A_478 = vector.extract_strided_slice %exp3A_477 {offsets = [0, 0], sizes = [8, 1024], strides = [1, 1]} : vector<64x1024xf32> to vector<8x1024xf32>
      %slice3A_479 = vector.extract_strided_slice %exp3A_477 {offsets = [8, 0], sizes = [8, 1024], strides = [1, 1]} : vector<64x1024xf32> to vector<8x1024xf32>
      %add3A_480 = arith.addf %slice3A_478, %slice3A_479 : vector<8x1024xf32>
      %slice3A_481 = vector.extract_strided_slice %exp3A_477 {offsets = [16, 0], sizes = [8, 1024], strides = [1, 1]} : vector<64x1024xf32> to vector<8x1024xf32>
      %slice3A_482 = vector.extract_strided_slice %exp3A_477 {offsets = [24, 0], sizes = [8, 1024], strides = [1, 1]} : vector<64x1024xf32> to vector<8x1024xf32>
      %add3A_483 = arith.addf %slice3A_481, %slice3A_482 : vector<8x1024xf32>
      %add3A_484 = arith.addf %add3A_480, %add3A_483 : vector<8x1024xf32>
      %slice3A_485 = vector.extract_strided_slice %exp3A_477 {offsets = [32, 0], sizes = [8, 1024], strides = [1, 1]} : vector<64x1024xf32> to vector<8x1024xf32>
      %slice3A_486 = vector.extract_strided_slice %exp3A_477 {offsets = [40, 0], sizes = [8, 1024], strides = [1, 1]} : vector<64x1024xf32> to vector<8x1024xf32>
      %add3A_487 = arith.addf %slice3A_485, %slice3A_486 : vector<8x1024xf32>
      %slice3A_488 = vector.extract_strided_slice %exp3A_477 {offsets = [48, 0], sizes = [8, 1024], strides = [1, 1]} : vector<64x1024xf32> to vector<8x1024xf32>
      %slice3A_489 = vector.extract_strided_slice %exp3A_477 {offsets = [56, 0], sizes = [8, 1024], strides = [1, 1]} : vector<64x1024xf32> to vector<8x1024xf32>
      %add3A_490 = arith.addf %slice3A_488, %slice3A_489 : vector<8x1024xf32>
      %add3A_491 = arith.addf %add3A_487, %add3A_490 : vector<8x1024xf32>
      %add3A_492 = arith.addf %add3A_484, %add3A_491 : vector<8x1024xf32>
      %add3A_493 = arith.addf %add3A_471, %add3A_492 : vector<8x1024xf32>
      %get3A_494 = arith.constant 0 : index
      %get3A_495 = arith.constant 1408 : index
      %get3A_496 = vector.load %arg1[%get3A_494, %get3A_495] : memref<65x2048xbf16, #tpu.memory_space<vmem>>, vector<65x64xbf16>
      %dot_general3A_497 = arith.constant dense<0.000000e+00> : vector<64x1024xf32>
      %dot_general3A_498 = tpu.matmul %get3A_496, %convert_element_type3A, %dot_general3A_497 {dimension_numbers = #tpu.dot_dimension_numbers<[0], [0], [1], [1], [0, 1, 1, 1], [], []>, transpose_lhs_hint = false} : vector<65x64xbf16>, vector<65x1024xbf16>, vector<64x1024xf32> -> vector<64x1024xf32>
      %exp3A_499 = math.exp %dot_general3A_498 : vector<64x1024xf32>
      %slice3A_500 = vector.extract_strided_slice %exp3A_499 {offsets = [0, 0], sizes = [8, 1024], strides = [1, 1]} : vector<64x1024xf32> to vector<8x1024xf32>
      %slice3A_501 = vector.extract_strided_slice %exp3A_499 {offsets = [8, 0], sizes = [8, 1024], strides = [1, 1]} : vector<64x1024xf32> to vector<8x1024xf32>
      %add3A_502 = arith.addf %slice3A_500, %slice3A_501 : vector<8x1024xf32>
      %slice3A_503 = vector.extract_strided_slice %exp3A_499 {offsets = [16, 0], sizes = [8, 1024], strides = [1, 1]} : vector<64x1024xf32> to vector<8x1024xf32>
      %slice3A_504 = vector.extract_strided_slice %exp3A_499 {offsets = [24, 0], sizes = [8, 1024], strides = [1, 1]} : vector<64x1024xf32> to vector<8x1024xf32>
      %add3A_505 = arith.addf %slice3A_503, %slice3A_504 : vector<8x1024xf32>
      %add3A_506 = arith.addf %add3A_502, %add3A_505 : vector<8x1024xf32>
      %slice3A_507 = vector.extract_strided_slice %exp3A_499 {offsets = [32, 0], sizes = [8, 1024], strides = [1, 1]} : vector<64x1024xf32> to vector<8x1024xf32>
      %slice3A_508 = vector.extract_strided_slice %exp3A_499 {offsets = [40, 0], sizes = [8, 1024], strides = [1, 1]} : vector<64x1024xf32> to vector<8x1024xf32>
      %add3A_509 = arith.addf %slice3A_507, %slice3A_508 : vector<8x1024xf32>
      %slice3A_510 = vector.extract_strided_slice %exp3A_499 {offsets = [48, 0], sizes = [8, 1024], strides = [1, 1]} : vector<64x1024xf32> to vector<8x1024xf32>
      %slice3A_511 = vector.extract_strided_slice %exp3A_499 {offsets = [56, 0], sizes = [8, 1024], strides = [1, 1]} : vector<64x1024xf32> to vector<8x1024xf32>
      %add3A_512 = arith.addf %slice3A_510, %slice3A_511 : vector<8x1024xf32>
      %add3A_513 = arith.addf %add3A_509, %add3A_512 : vector<8x1024xf32>
      %add3A_514 = arith.addf %add3A_506, %add3A_513 : vector<8x1024xf32>
      %add3A_515 = arith.addf %add3A_493, %add3A_514 : vector<8x1024xf32>
      %get3A_516 = arith.constant 0 : index
      %get3A_517 = arith.constant 1472 : index
      %get3A_518 = vector.load %arg1[%get3A_516, %get3A_517] : memref<65x2048xbf16, #tpu.memory_space<vmem>>, vector<65x64xbf16>
      %dot_general3A_519 = arith.constant dense<0.000000e+00> : vector<64x1024xf32>
      %dot_general3A_520 = tpu.matmul %get3A_518, %convert_element_type3A, %dot_general3A_519 {dimension_numbers = #tpu.dot_dimension_numbers<[0], [0], [1], [1], [0, 1, 1, 1], [], []>, transpose_lhs_hint = false} : vector<65x64xbf16>, vector<65x1024xbf16>, vector<64x1024xf32> -> vector<64x1024xf32>
      %exp3A_521 = math.exp %dot_general3A_520 : vector<64x1024xf32>
      %slice3A_522 = vector.extract_strided_slice %exp3A_521 {offsets = [0, 0], sizes = [8, 1024], strides = [1, 1]} : vector<64x1024xf32> to vector<8x1024xf32>
      %slice3A_523 = vector.extract_strided_slice %exp3A_521 {offsets = [8, 0], sizes = [8, 1024], strides = [1, 1]} : vector<64x1024xf32> to vector<8x1024xf32>
      %add3A_524 = arith.addf %slice3A_522, %slice3A_523 : vector<8x1024xf32>
      %slice3A_525 = vector.extract_strided_slice %exp3A_521 {offsets = [16, 0], sizes = [8, 1024], strides = [1, 1]} : vector<64x1024xf32> to vector<8x1024xf32>
      %slice3A_526 = vector.extract_strided_slice %exp3A_521 {offsets = [24, 0], sizes = [8, 1024], strides = [1, 1]} : vector<64x1024xf32> to vector<8x1024xf32>
      %add3A_527 = arith.addf %slice3A_525, %slice3A_526 : vector<8x1024xf32>
      %add3A_528 = arith.addf %add3A_524, %add3A_527 : vector<8x1024xf32>
      %slice3A_529 = vector.extract_strided_slice %exp3A_521 {offsets = [32, 0], sizes = [8, 1024], strides = [1, 1]} : vector<64x1024xf32> to vector<8x1024xf32>
      %slice3A_530 = vector.extract_strided_slice %exp3A_521 {offsets = [40, 0], sizes = [8, 1024], strides = [1, 1]} : vector<64x1024xf32> to vector<8x1024xf32>
      %add3A_531 = arith.addf %slice3A_529, %slice3A_530 : vector<8x1024xf32>
      %slice3A_532 = vector.extract_strided_slice %exp3A_521 {offsets = [48, 0], sizes = [8, 1024], strides = [1, 1]} : vector<64x1024xf32> to vector<8x1024xf32>
      %slice3A_533 = vector.extract_strided_slice %exp3A_521 {offsets = [56, 0], sizes = [8, 1024], strides = [1, 1]} : vector<64x1024xf32> to vector<8x1024xf32>
      %add3A_534 = arith.addf %slice3A_532, %slice3A_533 : vector<8x1024xf32>
      %add3A_535 = arith.addf %add3A_531, %add3A_534 : vector<8x1024xf32>
      %add3A_536 = arith.addf %add3A_528, %add3A_535 : vector<8x1024xf32>
      %add3A_537 = arith.addf %add3A_515, %add3A_536 : vector<8x1024xf32>
      %get3A_538 = arith.constant 0 : index
      %get3A_539 = arith.constant 1536 : index
      %get3A_540 = vector.load %arg1[%get3A_538, %get3A_539] : memref<65x2048xbf16, #tpu.memory_space<vmem>>, vector<65x64xbf16>
      %dot_general3A_541 = arith.constant dense<0.000000e+00> : vector<64x1024xf32>
      %dot_general3A_542 = tpu.matmul %get3A_540, %convert_element_type3A, %dot_general3A_541 {dimension_numbers = #tpu.dot_dimension_numbers<[0], [0], [1], [1], [0, 1, 1, 1], [], []>, transpose_lhs_hint = false} : vector<65x64xbf16>, vector<65x1024xbf16>, vector<64x1024xf32> -> vector<64x1024xf32>
      %exp3A_543 = math.exp %dot_general3A_542 : vector<64x1024xf32>
      %slice3A_544 = vector.extract_strided_slice %exp3A_543 {offsets = [0, 0], sizes = [8, 1024], strides = [1, 1]} : vector<64x1024xf32> to vector<8x1024xf32>
      %slice3A_545 = vector.extract_strided_slice %exp3A_543 {offsets = [8, 0], sizes = [8, 1024], strides = [1, 1]} : vector<64x1024xf32> to vector<8x1024xf32>
      %add3A_546 = arith.addf %slice3A_544, %slice3A_545 : vector<8x1024xf32>
      %slice3A_547 = vector.extract_strided_slice %exp3A_543 {offsets = [16, 0], sizes = [8, 1024], strides = [1, 1]} : vector<64x1024xf32> to vector<8x1024xf32>
      %slice3A_548 = vector.extract_strided_slice %exp3A_543 {offsets = [24, 0], sizes = [8, 1024], strides = [1, 1]} : vector<64x1024xf32> to vector<8x1024xf32>
      %add3A_549 = arith.addf %slice3A_547, %slice3A_548 : vector<8x1024xf32>
      %add3A_550 = arith.addf %add3A_546, %add3A_549 : vector<8x1024xf32>
      %slice3A_551 = vector.extract_strided_slice %exp3A_543 {offsets = [32, 0], sizes = [8, 1024], strides = [1, 1]} : vector<64x1024xf32> to vector<8x1024xf32>
      %slice3A_552 = vector.extract_strided_slice %exp3A_543 {offsets = [40, 0], sizes = [8, 1024], strides = [1, 1]} : vector<64x1024xf32> to vector<8x1024xf32>
      %add3A_553 = arith.addf %slice3A_551, %slice3A_552 : vector<8x1024xf32>
      %slice3A_554 = vector.extract_strided_slice %exp3A_543 {offsets = [48, 0], sizes = [8, 1024], strides = [1, 1]} : vector<64x1024xf32> to vector<8x1024xf32>
      %slice3A_555 = vector.extract_strided_slice %exp3A_543 {offsets = [56, 0], sizes = [8, 1024], strides = [1, 1]} : vector<64x1024xf32> to vector<8x1024xf32>
      %add3A_556 = arith.addf %slice3A_554, %slice3A_555 : vector<8x1024xf32>
      %add3A_557 = arith.addf %add3A_553, %add3A_556 : vector<8x1024xf32>
      %add3A_558 = arith.addf %add3A_550, %add3A_557 : vector<8x1024xf32>
      %add3A_559 = arith.addf %add3A_537, %add3A_558 : vector<8x1024xf32>
      %get3A_560 = arith.constant 0 : index
      %get3A_561 = arith.constant 1600 : index
      %get3A_562 = vector.load %arg1[%get3A_560, %get3A_561] : memref<65x2048xbf16, #tpu.memory_space<vmem>>, vector<65x64xbf16>
      %dot_general3A_563 = arith.constant dense<0.000000e+00> : vector<64x1024xf32>
      %dot_general3A_564 = tpu.matmul %get3A_562, %convert_element_type3A, %dot_general3A_563 {dimension_numbers = #tpu.dot_dimension_numbers<[0], [0], [1], [1], [0, 1, 1, 1], [], []>, transpose_lhs_hint = false} : vector<65x64xbf16>, vector<65x1024xbf16>, vector<64x1024xf32> -> vector<64x1024xf32>
      %exp3A_565 = math.exp %dot_general3A_564 : vector<64x1024xf32>
      %slice3A_566 = vector.extract_strided_slice %exp3A_565 {offsets = [0, 0], sizes = [8, 1024], strides = [1, 1]} : vector<64x1024xf32> to vector<8x1024xf32>
      %slice3A_567 = vector.extract_strided_slice %exp3A_565 {offsets = [8, 0], sizes = [8, 1024], strides = [1, 1]} : vector<64x1024xf32> to vector<8x1024xf32>
      %add3A_568 = arith.addf %slice3A_566, %slice3A_567 : vector<8x1024xf32>
      %slice3A_569 = vector.extract_strided_slice %exp3A_565 {offsets = [16, 0], sizes = [8, 1024], strides = [1, 1]} : vector<64x1024xf32> to vector<8x1024xf32>
      %slice3A_570 = vector.extract_strided_slice %exp3A_565 {offsets = [24, 0], sizes = [8, 1024], strides = [1, 1]} : vector<64x1024xf32> to vector<8x1024xf32>
      %add3A_571 = arith.addf %slice3A_569, %slice3A_570 : vector<8x1024xf32>
      %add3A_572 = arith.addf %add3A_568, %add3A_571 : vector<8x1024xf32>
      %slice3A_573 = vector.extract_strided_slice %exp3A_565 {offsets = [32, 0], sizes = [8, 1024], strides = [1, 1]} : vector<64x1024xf32> to vector<8x1024xf32>
      %slice3A_574 = vector.extract_strided_slice %exp3A_565 {offsets = [40, 0], sizes = [8, 1024], strides = [1, 1]} : vector<64x1024xf32> to vector<8x1024xf32>
      %add3A_575 = arith.addf %slice3A_573, %slice3A_574 : vector<8x1024xf32>
      %slice3A_576 = vector.extract_strided_slice %exp3A_565 {offsets = [48, 0], sizes = [8, 1024], strides = [1, 1]} : vector<64x1024xf32> to vector<8x1024xf32>
      %slice3A_577 = vector.extract_strided_slice %exp3A_565 {offsets = [56, 0], sizes = [8, 1024], strides = [1, 1]} : vector<64x1024xf32> to vector<8x1024xf32>
      %add3A_578 = arith.addf %slice3A_576, %slice3A_577 : vector<8x1024xf32>
      %add3A_579 = arith.addf %add3A_575, %add3A_578 : vector<8x1024xf32>
      %add3A_580 = arith.addf %add3A_572, %add3A_579 : vector<8x1024xf32>
      %add3A_581 = arith.addf %add3A_559, %add3A_580 : vector<8x1024xf32>
      %get3A_582 = arith.constant 0 : index
      %get3A_583 = arith.constant 1664 : index
      %get3A_584 = vector.load %arg1[%get3A_582, %get3A_583] : memref<65x2048xbf16, #tpu.memory_space<vmem>>, vector<65x64xbf16>
      %dot_general3A_585 = arith.constant dense<0.000000e+00> : vector<64x1024xf32>
      %dot_general3A_586 = tpu.matmul %get3A_584, %convert_element_type3A, %dot_general3A_585 {dimension_numbers = #tpu.dot_dimension_numbers<[0], [0], [1], [1], [0, 1, 1, 1], [], []>, transpose_lhs_hint = false} : vector<65x64xbf16>, vector<65x1024xbf16>, vector<64x1024xf32> -> vector<64x1024xf32>
      %exp3A_587 = math.exp %dot_general3A_586 : vector<64x1024xf32>
      %slice3A_588 = vector.extract_strided_slice %exp3A_587 {offsets = [0, 0], sizes = [8, 1024], strides = [1, 1]} : vector<64x1024xf32> to vector<8x1024xf32>
      %slice3A_589 = vector.extract_strided_slice %exp3A_587 {offsets = [8, 0], sizes = [8, 1024], strides = [1, 1]} : vector<64x1024xf32> to vector<8x1024xf32>
      %add3A_590 = arith.addf %slice3A_588, %slice3A_589 : vector<8x1024xf32>
      %slice3A_591 = vector.extract_strided_slice %exp3A_587 {offsets = [16, 0], sizes = [8, 1024], strides = [1, 1]} : vector<64x1024xf32> to vector<8x1024xf32>
      %slice3A_592 = vector.extract_strided_slice %exp3A_587 {offsets = [24, 0], sizes = [8, 1024], strides = [1, 1]} : vector<64x1024xf32> to vector<8x1024xf32>
      %add3A_593 = arith.addf %slice3A_591, %slice3A_592 : vector<8x1024xf32>
      %add3A_594 = arith.addf %add3A_590, %add3A_593 : vector<8x1024xf32>
      %slice3A_595 = vector.extract_strided_slice %exp3A_587 {offsets = [32, 0], sizes = [8, 1024], strides = [1, 1]} : vector<64x1024xf32> to vector<8x1024xf32>
      %slice3A_596 = vector.extract_strided_slice %exp3A_587 {offsets = [40, 0], sizes = [8, 1024], strides = [1, 1]} : vector<64x1024xf32> to vector<8x1024xf32>
      %add3A_597 = arith.addf %slice3A_595, %slice3A_596 : vector<8x1024xf32>
      %slice3A_598 = vector.extract_strided_slice %exp3A_587 {offsets = [48, 0], sizes = [8, 1024], strides = [1, 1]} : vector<64x1024xf32> to vector<8x1024xf32>
      %slice3A_599 = vector.extract_strided_slice %exp3A_587 {offsets = [56, 0], sizes = [8, 1024], strides = [1, 1]} : vector<64x1024xf32> to vector<8x1024xf32>
      %add3A_600 = arith.addf %slice3A_598, %slice3A_599 : vector<8x1024xf32>
      %add3A_601 = arith.addf %add3A_597, %add3A_600 : vector<8x1024xf32>
      %add3A_602 = arith.addf %add3A_594, %add3A_601 : vector<8x1024xf32>
      %add3A_603 = arith.addf %add3A_581, %add3A_602 : vector<8x1024xf32>
      %get3A_604 = arith.constant 0 : index
      %get3A_605 = arith.constant 1728 : index
      %get3A_606 = vector.load %arg1[%get3A_604, %get3A_605] : memref<65x2048xbf16, #tpu.memory_space<vmem>>, vector<65x64xbf16>
      %dot_general3A_607 = arith.constant dense<0.000000e+00> : vector<64x1024xf32>
      %dot_general3A_608 = tpu.matmul %get3A_606, %convert_element_type3A, %dot_general3A_607 {dimension_numbers = #tpu.dot_dimension_numbers<[0], [0], [1], [1], [0, 1, 1, 1], [], []>, transpose_lhs_hint = false} : vector<65x64xbf16>, vector<65x1024xbf16>, vector<64x1024xf32> -> vector<64x1024xf32>
      %exp3A_609 = math.exp %dot_general3A_608 : vector<64x1024xf32>
      %slice3A_610 = vector.extract_strided_slice %exp3A_609 {offsets = [0, 0], sizes = [8, 1024], strides = [1, 1]} : vector<64x1024xf32> to vector<8x1024xf32>
      %slice3A_611 = vector.extract_strided_slice %exp3A_609 {offsets = [8, 0], sizes = [8, 1024], strides = [1, 1]} : vector<64x1024xf32> to vector<8x1024xf32>
      %add3A_612 = arith.addf %slice3A_610, %slice3A_611 : vector<8x1024xf32>
      %slice3A_613 = vector.extract_strided_slice %exp3A_609 {offsets = [16, 0], sizes = [8, 1024], strides = [1, 1]} : vector<64x1024xf32> to vector<8x1024xf32>
      %slice3A_614 = vector.extract_strided_slice %exp3A_609 {offsets = [24, 0], sizes = [8, 1024], strides = [1, 1]} : vector<64x1024xf32> to vector<8x1024xf32>
      %add3A_615 = arith.addf %slice3A_613, %slice3A_614 : vector<8x1024xf32>
      %add3A_616 = arith.addf %add3A_612, %add3A_615 : vector<8x1024xf32>
      %slice3A_617 = vector.extract_strided_slice %exp3A_609 {offsets = [32, 0], sizes = [8, 1024], strides = [1, 1]} : vector<64x1024xf32> to vector<8x1024xf32>
      %slice3A_618 = vector.extract_strided_slice %exp3A_609 {offsets = [40, 0], sizes = [8, 1024], strides = [1, 1]} : vector<64x1024xf32> to vector<8x1024xf32>
      %add3A_619 = arith.addf %slice3A_617, %slice3A_618 : vector<8x1024xf32>
      %slice3A_620 = vector.extract_strided_slice %exp3A_609 {offsets = [48, 0], sizes = [8, 1024], strides = [1, 1]} : vector<64x1024xf32> to vector<8x1024xf32>
      %slice3A_621 = vector.extract_strided_slice %exp3A_609 {offsets = [56, 0], sizes = [8, 1024], strides = [1, 1]} : vector<64x1024xf32> to vector<8x1024xf32>
      %add3A_622 = arith.addf %slice3A_620, %slice3A_621 : vector<8x1024xf32>
      %add3A_623 = arith.addf %add3A_619, %add3A_622 : vector<8x1024xf32>
      %add3A_624 = arith.addf %add3A_616, %add3A_623 : vector<8x1024xf32>
      %add3A_625 = arith.addf %add3A_603, %add3A_624 : vector<8x1024xf32>
      %get3A_626 = arith.constant 0 : index
      %get3A_627 = arith.constant 1792 : index
      %get3A_628 = vector.load %arg1[%get3A_626, %get3A_627] : memref<65x2048xbf16, #tpu.memory_space<vmem>>, vector<65x64xbf16>
      %dot_general3A_629 = arith.constant dense<0.000000e+00> : vector<64x1024xf32>
      %dot_general3A_630 = tpu.matmul %get3A_628, %convert_element_type3A, %dot_general3A_629 {dimension_numbers = #tpu.dot_dimension_numbers<[0], [0], [1], [1], [0, 1, 1, 1], [], []>, transpose_lhs_hint = false} : vector<65x64xbf16>, vector<65x1024xbf16>, vector<64x1024xf32> -> vector<64x1024xf32>
      %exp3A_631 = math.exp %dot_general3A_630 : vector<64x1024xf32>
      %slice3A_632 = vector.extract_strided_slice %exp3A_631 {offsets = [0, 0], sizes = [8, 1024], strides = [1, 1]} : vector<64x1024xf32> to vector<8x1024xf32>
      %slice3A_633 = vector.extract_strided_slice %exp3A_631 {offsets = [8, 0], sizes = [8, 1024], strides = [1, 1]} : vector<64x1024xf32> to vector<8x1024xf32>
      %add3A_634 = arith.addf %slice3A_632, %slice3A_633 : vector<8x1024xf32>
      %slice3A_635 = vector.extract_strided_slice %exp3A_631 {offsets = [16, 0], sizes = [8, 1024], strides = [1, 1]} : vector<64x1024xf32> to vector<8x1024xf32>
      %slice3A_636 = vector.extract_strided_slice %exp3A_631 {offsets = [24, 0], sizes = [8, 1024], strides = [1, 1]} : vector<64x1024xf32> to vector<8x1024xf32>
      %add3A_637 = arith.addf %slice3A_635, %slice3A_636 : vector<8x1024xf32>
      %add3A_638 = arith.addf %add3A_634, %add3A_637 : vector<8x1024xf32>
      %slice3A_639 = vector.extract_strided_slice %exp3A_631 {offsets = [32, 0], sizes = [8, 1024], strides = [1, 1]} : vector<64x1024xf32> to vector<8x1024xf32>
      %slice3A_640 = vector.extract_strided_slice %exp3A_631 {offsets = [40, 0], sizes = [8, 1024], strides = [1, 1]} : vector<64x1024xf32> to vector<8x1024xf32>
      %add3A_641 = arith.addf %slice3A_639, %slice3A_640 : vector<8x1024xf32>
      %slice3A_642 = vector.extract_strided_slice %exp3A_631 {offsets = [48, 0], sizes = [8, 1024], strides = [1, 1]} : vector<64x1024xf32> to vector<8x1024xf32>
      %slice3A_643 = vector.extract_strided_slice %exp3A_631 {offsets = [56, 0], sizes = [8, 1024], strides = [1, 1]} : vector<64x1024xf32> to vector<8x1024xf32>
      %add3A_644 = arith.addf %slice3A_642, %slice3A_643 : vector<8x1024xf32>
      %add3A_645 = arith.addf %add3A_641, %add3A_644 : vector<8x1024xf32>
      %add3A_646 = arith.addf %add3A_638, %add3A_645 : vector<8x1024xf32>
      %add3A_647 = arith.addf %add3A_625, %add3A_646 : vector<8x1024xf32>
      %get3A_648 = arith.constant 0 : index
      %get3A_649 = arith.constant 1856 : index
      %get3A_650 = vector.load %arg1[%get3A_648, %get3A_649] : memref<65x2048xbf16, #tpu.memory_space<vmem>>, vector<65x64xbf16>
      %dot_general3A_651 = arith.constant dense<0.000000e+00> : vector<64x1024xf32>
      %dot_general3A_652 = tpu.matmul %get3A_650, %convert_element_type3A, %dot_general3A_651 {dimension_numbers = #tpu.dot_dimension_numbers<[0], [0], [1], [1], [0, 1, 1, 1], [], []>, transpose_lhs_hint = false} : vector<65x64xbf16>, vector<65x1024xbf16>, vector<64x1024xf32> -> vector<64x1024xf32>
      %exp3A_653 = math.exp %dot_general3A_652 : vector<64x1024xf32>
      %slice3A_654 = vector.extract_strided_slice %exp3A_653 {offsets = [0, 0], sizes = [8, 1024], strides = [1, 1]} : vector<64x1024xf32> to vector<8x1024xf32>
      %slice3A_655 = vector.extract_strided_slice %exp3A_653 {offsets = [8, 0], sizes = [8, 1024], strides = [1, 1]} : vector<64x1024xf32> to vector<8x1024xf32>
      %add3A_656 = arith.addf %slice3A_654, %slice3A_655 : vector<8x1024xf32>
      %slice3A_657 = vector.extract_strided_slice %exp3A_653 {offsets = [16, 0], sizes = [8, 1024], strides = [1, 1]} : vector<64x1024xf32> to vector<8x1024xf32>
      %slice3A_658 = vector.extract_strided_slice %exp3A_653 {offsets = [24, 0], sizes = [8, 1024], strides = [1, 1]} : vector<64x1024xf32> to vector<8x1024xf32>
      %add3A_659 = arith.addf %slice3A_657, %slice3A_658 : vector<8x1024xf32>
      %add3A_660 = arith.addf %add3A_656, %add3A_659 : vector<8x1024xf32>
      %slice3A_661 = vector.extract_strided_slice %exp3A_653 {offsets = [32, 0], sizes = [8, 1024], strides = [1, 1]} : vector<64x1024xf32> to vector<8x1024xf32>
      %slice3A_662 = vector.extract_strided_slice %exp3A_653 {offsets = [40, 0], sizes = [8, 1024], strides = [1, 1]} : vector<64x1024xf32> to vector<8x1024xf32>
      %add3A_663 = arith.addf %slice3A_661, %slice3A_662 : vector<8x1024xf32>
      %slice3A_664 = vector.extract_strided_slice %exp3A_653 {offsets = [48, 0], sizes = [8, 1024], strides = [1, 1]} : vector<64x1024xf32> to vector<8x1024xf32>
      %slice3A_665 = vector.extract_strided_slice %exp3A_653 {offsets = [56, 0], sizes = [8, 1024], strides = [1, 1]} : vector<64x1024xf32> to vector<8x1024xf32>
      %add3A_666 = arith.addf %slice3A_664, %slice3A_665 : vector<8x1024xf32>
      %add3A_667 = arith.addf %add3A_663, %add3A_666 : vector<8x1024xf32>
      %add3A_668 = arith.addf %add3A_660, %add3A_667 : vector<8x1024xf32>
      %add3A_669 = arith.addf %add3A_647, %add3A_668 : vector<8x1024xf32>
      %get3A_670 = arith.constant 0 : index
      %get3A_671 = arith.constant 1920 : index
      %get3A_672 = vector.load %arg1[%get3A_670, %get3A_671] : memref<65x2048xbf16, #tpu.memory_space<vmem>>, vector<65x64xbf16>
      %dot_general3A_673 = arith.constant dense<0.000000e+00> : vector<64x1024xf32>
      %dot_general3A_674 = tpu.matmul %get3A_672, %convert_element_type3A, %dot_general3A_673 {dimension_numbers = #tpu.dot_dimension_numbers<[0], [0], [1], [1], [0, 1, 1, 1], [], []>, transpose_lhs_hint = false} : vector<65x64xbf16>, vector<65x1024xbf16>, vector<64x1024xf32> -> vector<64x1024xf32>
      %exp3A_675 = math.exp %dot_general3A_674 : vector<64x1024xf32>
      %slice3A_676 = vector.extract_strided_slice %exp3A_675 {offsets = [0, 0], sizes = [8, 1024], strides = [1, 1]} : vector<64x1024xf32> to vector<8x1024xf32>
      %slice3A_677 = vector.extract_strided_slice %exp3A_675 {offsets = [8, 0], sizes = [8, 1024], strides = [1, 1]} : vector<64x1024xf32> to vector<8x1024xf32>
      %add3A_678 = arith.addf %slice3A_676, %slice3A_677 : vector<8x1024xf32>
      %slice3A_679 = vector.extract_strided_slice %exp3A_675 {offsets = [16, 0], sizes = [8, 1024], strides = [1, 1]} : vector<64x1024xf32> to vector<8x1024xf32>
      %slice3A_680 = vector.extract_strided_slice %exp3A_675 {offsets = [24, 0], sizes = [8, 1024], strides = [1, 1]} : vector<64x1024xf32> to vector<8x1024xf32>
      %add3A_681 = arith.addf %slice3A_679, %slice3A_680 : vector<8x1024xf32>
      %add3A_682 = arith.addf %add3A_678, %add3A_681 : vector<8x1024xf32>
      %slice3A_683 = vector.extract_strided_slice %exp3A_675 {offsets = [32, 0], sizes = [8, 1024], strides = [1, 1]} : vector<64x1024xf32> to vector<8x1024xf32>
      %slice3A_684 = vector.extract_strided_slice %exp3A_675 {offsets = [40, 0], sizes = [8, 1024], strides = [1, 1]} : vector<64x1024xf32> to vector<8x1024xf32>
      %add3A_685 = arith.addf %slice3A_683, %slice3A_684 : vector<8x1024xf32>
      %slice3A_686 = vector.extract_strided_slice %exp3A_675 {offsets = [48, 0], sizes = [8, 1024], strides = [1, 1]} : vector<64x1024xf32> to vector<8x1024xf32>
      %slice3A_687 = vector.extract_strided_slice %exp3A_675 {offsets = [56, 0], sizes = [8, 1024], strides = [1, 1]} : vector<64x1024xf32> to vector<8x1024xf32>
      %add3A_688 = arith.addf %slice3A_686, %slice3A_687 : vector<8x1024xf32>
      %add3A_689 = arith.addf %add3A_685, %add3A_688 : vector<8x1024xf32>
      %add3A_690 = arith.addf %add3A_682, %add3A_689 : vector<8x1024xf32>
      %add3A_691 = arith.addf %add3A_669, %add3A_690 : vector<8x1024xf32>
      %get3A_692 = arith.constant 0 : index
      %get3A_693 = arith.constant 1984 : index
      %get3A_694 = vector.load %arg1[%get3A_692, %get3A_693] : memref<65x2048xbf16, #tpu.memory_space<vmem>>, vector<65x64xbf16>
      %dot_general3A_695 = arith.constant dense<0.000000e+00> : vector<64x1024xf32>
      %dot_general3A_696 = tpu.matmul %get3A_694, %convert_element_type3A, %dot_general3A_695 {dimension_numbers = #tpu.dot_dimension_numbers<[0], [0], [1], [1], [0, 1, 1, 1], [], []>, transpose_lhs_hint = false} : vector<65x64xbf16>, vector<65x1024xbf16>, vector<64x1024xf32> -> vector<64x1024xf32>
      %exp3A_697 = math.exp %dot_general3A_696 : vector<64x1024xf32>
      %slice3A_698 = vector.extract_strided_slice %exp3A_697 {offsets = [0, 0], sizes = [8, 1024], strides = [1, 1]} : vector<64x1024xf32> to vector<8x1024xf32>
      %slice3A_699 = vector.extract_strided_slice %exp3A_697 {offsets = [8, 0], sizes = [8, 1024], strides = [1, 1]} : vector<64x1024xf32> to vector<8x1024xf32>
      %add3A_700 = arith.addf %slice3A_698, %slice3A_699 : vector<8x1024xf32>
      %slice3A_701 = vector.extract_strided_slice %exp3A_697 {offsets = [16, 0], sizes = [8, 1024], strides = [1, 1]} : vector<64x1024xf32> to vector<8x1024xf32>
      %slice3A_702 = vector.extract_strided_slice %exp3A_697 {offsets = [24, 0], sizes = [8, 1024], strides = [1, 1]} : vector<64x1024xf32> to vector<8x1024xf32>
      %add3A_703 = arith.addf %slice3A_701, %slice3A_702 : vector<8x1024xf32>
      %add3A_704 = arith.addf %add3A_700, %add3A_703 : vector<8x1024xf32>
      %slice3A_705 = vector.extract_strided_slice %exp3A_697 {offsets = [32, 0], sizes = [8, 1024], strides = [1, 1]} : vector<64x1024xf32> to vector<8x1024xf32>
      %slice3A_706 = vector.extract_strided_slice %exp3A_697 {offsets = [40, 0], sizes = [8, 1024], strides = [1, 1]} : vector<64x1024xf32> to vector<8x1024xf32>
      %add3A_707 = arith.addf %slice3A_705, %slice3A_706 : vector<8x1024xf32>
      %slice3A_708 = vector.extract_strided_slice %exp3A_697 {offsets = [48, 0], sizes = [8, 1024], strides = [1, 1]} : vector<64x1024xf32> to vector<8x1024xf32>
      %slice3A_709 = vector.extract_strided_slice %exp3A_697 {offsets = [56, 0], sizes = [8, 1024], strides = [1, 1]} : vector<64x1024xf32> to vector<8x1024xf32>
      %add3A_710 = arith.addf %slice3A_708, %slice3A_709 : vector<8x1024xf32>
      %add3A_711 = arith.addf %add3A_707, %add3A_710 : vector<8x1024xf32>
      %add3A_712 = arith.addf %add3A_704, %add3A_711 : vector<8x1024xf32>
      %add3A_713 = arith.addf %add3A_691, %add3A_712 : vector<8x1024xf32>
      %get3A_714 = arith.constant 0 : index
      %get3A_715 = arith.constant 0 : index
      %get3A_716 = vector.load %arg4[%get3A_714, %get3A_715] : memref<1x1024xf32, #tpu.memory_space<vmem>>, vector<1x1024xf32>
      %reduce_sum3A = arith.constant dense<0.000000e+00> : vector<1024xf32>
      %reduce_sum3A_717 = vector.multi_reduction <add>, %add3A_713, %reduce_sum3A [0] : vector<8x1024xf32> to vector<1024xf32>
      %broadcast_in_dim3A_718 = vector.shape_cast %reduce_sum3A_717 : vector<1024xf32> to vector<1x1024xf32>
      %add3A_719 = arith.addf %get3A_716, %broadcast_in_dim3A_718 : vector<1x1024xf32>
      %swap3A = arith.constant 0 : index
      %swap3A_720 = arith.constant 0 : index
      %swap3A_721 = vector.load %arg4[%swap3A, %swap3A_720] : memref<1x1024xf32, #tpu.memory_space<vmem>>, vector<1x1024xf32>
      tpu.vector_store %arg4[%swap3A, %swap3A_720], %add3A_719 {strides = array<i32>} : memref<1x1024xf32, #tpu.memory_space<vmem>>, vector<1x1024xf32>,
    } else {
    }
    %ge3A = arith.constant 49 : i32
    %ge3A_9 = arith.cmpi sge, %arg0, %ge3A : i32
    %convert_element_type3A_10 = arith.extui %ge3A_9 : i1 to i32
    %cond3A_11 = arith.constant 0 : i32
    %cond3A_12 = arith.cmpi ne, %convert_element_type3A_10, %cond3A_11 : i32
    scf.if %cond3A_12 {
      %get3A_13 = arith.constant 0 : index
      %get3A_14 = arith.constant 0 : index
      %get3A_15 = vector.load %arg4[%get3A_13, %get3A_14] : memref<1x1024xf32, #tpu.memory_space<vmem>>, vector<1x1024xf32>
      %log3A = math.log %get3A_15 : vector<1x1024xf32>
      %broadcast_in_dim3A = vector.shape_cast %log3A : vector<1x1024xf32> to vector<1x1024xf32>
      %broadcast_in_dim3A_16 = vector.broadcast %broadcast_in_dim3A : vector<1x1024xf32> to vector<64x1024xf32>
      %get3A_17 = arith.constant 0 : index
      %get3A_18 = arith.constant 0 : index
      %get3A_19 = vector.load %arg1[%get3A_17, %get3A_18] : memref<65x2048xbf16, #tpu.memory_space<vmem>>, vector<65x64xbf16>
      %dot_general3A = arith.constant dense<0.000000e+00> : vector<64x1024xf32>
      %dot_general3A_20 = tpu.matmul %get3A_19, %convert_element_type3A, %dot_general3A {dimension_numbers = #tpu.dot_dimension_numbers<[0], [0], [1], [1], [0, 1, 1, 1], [], []>, transpose_lhs_hint = false} : vector<65x64xbf16>, vector<65x1024xbf16>, vector<64x1024xf32> -> vector<64x1024xf32>
      %sub3A = arith.subf %dot_general3A_20, %broadcast_in_dim3A_16 : vector<64x1024xf32>
      %swap3A = arith.constant 0 : index
      %swap3A_21 = arith.constant 0 : index
      %swap3A_22 = vector.load %arg3[%swap3A, %swap3A_21] : memref<2048x1024xf32, #tpu.memory_space<vmem>>, vector<64x1024xf32>
      tpu.vector_store %arg3[%swap3A, %swap3A_21], %sub3A {strides = array<i32>} : memref<2048x1024xf32, #tpu.memory_space<vmem>>, vector<64x1024xf32>,
      %get3A_23 = arith.constant 0 : index
      %get3A_24 = arith.constant 64 : index
      %get3A_25 = vector.load %arg1[%get3A_23, %get3A_24] : memref<65x2048xbf16, #tpu.memory_space<vmem>>, vector<65x64xbf16>
      %dot_general3A_26 = arith.constant dense<0.000000e+00> : vector<64x1024xf32>
      %dot_general3A_27 = tpu.matmul %get3A_25, %convert_element_type3A, %dot_general3A_26 {dimension_numbers = #tpu.dot_dimension_numbers<[0], [0], [1], [1], [0, 1, 1, 1], [], []>, transpose_lhs_hint = false} : vector<65x64xbf16>, vector<65x1024xbf16>, vector<64x1024xf32> -> vector<64x1024xf32>
      %sub3A_28 = arith.subf %dot_general3A_27, %broadcast_in_dim3A_16 : vector<64x1024xf32>
      %swap3A_29 = arith.constant 64 : index
      %swap3A_30 = arith.constant 0 : index
      %swap3A_31 = vector.load %arg3[%swap3A_29, %swap3A_30] : memref<2048x1024xf32, #tpu.memory_space<vmem>>, vector<64x1024xf32>
      tpu.vector_store %arg3[%swap3A_29, %swap3A_30], %sub3A_28 {strides = array<i32>} : memref<2048x1024xf32, #tpu.memory_space<vmem>>, vector<64x1024xf32>,
      %get3A_32 = arith.constant 0 : index
      %get3A_33 = arith.constant 128 : index
      %get3A_34 = vector.load %arg1[%get3A_32, %get3A_33] : memref<65x2048xbf16, #tpu.memory_space<vmem>>, vector<65x64xbf16>
      %dot_general3A_35 = arith.constant dense<0.000000e+00> : vector<64x1024xf32>
      %dot_general3A_36 = tpu.matmul %get3A_34, %convert_element_type3A, %dot_general3A_35 {dimension_numbers = #tpu.dot_dimension_numbers<[0], [0], [1], [1], [0, 1, 1, 1], [], []>, transpose_lhs_hint = false} : vector<65x64xbf16>, vector<65x1024xbf16>, vector<64x1024xf32> -> vector<64x1024xf32>
      %sub3A_37 = arith.subf %dot_general3A_36, %broadcast_in_dim3A_16 : vector<64x1024xf32>
      %swap3A_38 = arith.constant 128 : index
      %swap3A_39 = arith.constant 0 : index
      %swap3A_40 = vector.load %arg3[%swap3A_38, %swap3A_39] : memref<2048x1024xf32, #tpu.memory_space<vmem>>, vector<64x1024xf32>
      tpu.vector_store %arg3[%swap3A_38, %swap3A_39], %sub3A_37 {strides = array<i32>} : memref<2048x1024xf32, #tpu.memory_space<vmem>>, vector<64x1024xf32>,
      %get3A_41 = arith.constant 0 : index
      %get3A_42 = arith.constant 192 : index
      %get3A_43 = vector.load %arg1[%get3A_41, %get3A_42] : memref<65x2048xbf16, #tpu.memory_space<vmem>>, vector<65x64xbf16>
      %dot_general3A_44 = arith.constant dense<0.000000e+00> : vector<64x1024xf32>
      %dot_general3A_45 = tpu.matmul %get3A_43, %convert_element_type3A, %dot_general3A_44 {dimension_numbers = #tpu.dot_dimension_numbers<[0], [0], [1], [1], [0, 1, 1, 1], [], []>, transpose_lhs_hint = false} : vector<65x64xbf16>, vector<65x1024xbf16>, vector<64x1024xf32> -> vector<64x1024xf32>
      %sub3A_46 = arith.subf %dot_general3A_45, %broadcast_in_dim3A_16 : vector<64x1024xf32>
      %swap3A_47 = arith.constant 192 : index
      %swap3A_48 = arith.constant 0 : index
      %swap3A_49 = vector.load %arg3[%swap3A_47, %swap3A_48] : memref<2048x1024xf32, #tpu.memory_space<vmem>>, vector<64x1024xf32>
      tpu.vector_store %arg3[%swap3A_47, %swap3A_48], %sub3A_46 {strides = array<i32>} : memref<2048x1024xf32, #tpu.memory_space<vmem>>, vector<64x1024xf32>,
      %get3A_50 = arith.constant 0 : index
      %get3A_51 = arith.constant 256 : index
      %get3A_52 = vector.load %arg1[%get3A_50, %get3A_51] : memref<65x2048xbf16, #tpu.memory_space<vmem>>, vector<65x64xbf16>
      %dot_general3A_53 = arith.constant dense<0.000000e+00> : vector<64x1024xf32>
      %dot_general3A_54 = tpu.matmul %get3A_52, %convert_element_type3A, %dot_general3A_53 {dimension_numbers = #tpu.dot_dimension_numbers<[0], [0], [1], [1], [0, 1, 1, 1], [], []>, transpose_lhs_hint = false} : vector<65x64xbf16>, vector<65x1024xbf16>, vector<64x1024xf32> -> vector<64x1024xf32>
      %sub3A_55 = arith.subf %dot_general3A_54, %broadcast_in_dim3A_16 : vector<64x1024xf32>
      %swap3A_56 = arith.constant 256 : index
      %swap3A_57 = arith.constant 0 : index
      %swap3A_58 = vector.load %arg3[%swap3A_56, %swap3A_57] : memref<2048x1024xf32, #tpu.memory_space<vmem>>, vector<64x1024xf32>
      tpu.vector_store %arg3[%swap3A_56, %swap3A_57], %sub3A_55 {strides = array<i32>} : memref<2048x1024xf32, #tpu.memory_space<vmem>>, vector<64x1024xf32>,
      %get3A_59 = arith.constant 0 : index
      %get3A_60 = arith.constant 320 : index
      %get3A_61 = vector.load %arg1[%get3A_59, %get3A_60] : memref<65x2048xbf16, #tpu.memory_space<vmem>>, vector<65x64xbf16>
      %dot_general3A_62 = arith.constant dense<0.000000e+00> : vector<64x1024xf32>
      %dot_general3A_63 = tpu.matmul %get3A_61, %convert_element_type3A, %dot_general3A_62 {dimension_numbers = #tpu.dot_dimension_numbers<[0], [0], [1], [1], [0, 1, 1, 1], [], []>, transpose_lhs_hint = false} : vector<65x64xbf16>, vector<65x1024xbf16>, vector<64x1024xf32> -> vector<64x1024xf32>
      %sub3A_64 = arith.subf %dot_general3A_63, %broadcast_in_dim3A_16 : vector<64x1024xf32>
      %swap3A_65 = arith.constant 320 : index
      %swap3A_66 = arith.constant 0 : index
      %swap3A_67 = vector.load %arg3[%swap3A_65, %swap3A_66] : memref<2048x1024xf32, #tpu.memory_space<vmem>>, vector<64x1024xf32>
      tpu.vector_store %arg3[%swap3A_65, %swap3A_66], %sub3A_64 {strides = array<i32>} : memref<2048x1024xf32, #tpu.memory_space<vmem>>, vector<64x1024xf32>,
      %get3A_68 = arith.constant 0 : index
      %get3A_69 = arith.constant 384 : index
      %get3A_70 = vector.load %arg1[%get3A_68, %get3A_69] : memref<65x2048xbf16, #tpu.memory_space<vmem>>, vector<65x64xbf16>
      %dot_general3A_71 = arith.constant dense<0.000000e+00> : vector<64x1024xf32>
      %dot_general3A_72 = tpu.matmul %get3A_70, %convert_element_type3A, %dot_general3A_71 {dimension_numbers = #tpu.dot_dimension_numbers<[0], [0], [1], [1], [0, 1, 1, 1], [], []>, transpose_lhs_hint = false} : vector<65x64xbf16>, vector<65x1024xbf16>, vector<64x1024xf32> -> vector<64x1024xf32>
      %sub3A_73 = arith.subf %dot_general3A_72, %broadcast_in_dim3A_16 : vector<64x1024xf32>
      %swap3A_74 = arith.constant 384 : index
      %swap3A_75 = arith.constant 0 : index
      %swap3A_76 = vector.load %arg3[%swap3A_74, %swap3A_75] : memref<2048x1024xf32, #tpu.memory_space<vmem>>, vector<64x1024xf32>
      tpu.vector_store %arg3[%swap3A_74, %swap3A_75], %sub3A_73 {strides = array<i32>} : memref<2048x1024xf32, #tpu.memory_space<vmem>>, vector<64x1024xf32>,
      %get3A_77 = arith.constant 0 : index
      %get3A_78 = arith.constant 448 : index
      %get3A_79 = vector.load %arg1[%get3A_77, %get3A_78] : memref<65x2048xbf16, #tpu.memory_space<vmem>>, vector<65x64xbf16>
      %dot_general3A_80 = arith.constant dense<0.000000e+00> : vector<64x1024xf32>
      %dot_general3A_81 = tpu.matmul %get3A_79, %convert_element_type3A, %dot_general3A_80 {dimension_numbers = #tpu.dot_dimension_numbers<[0], [0], [1], [1], [0, 1, 1, 1], [], []>, transpose_lhs_hint = false} : vector<65x64xbf16>, vector<65x1024xbf16>, vector<64x1024xf32> -> vector<64x1024xf32>
      %sub3A_82 = arith.subf %dot_general3A_81, %broadcast_in_dim3A_16 : vector<64x1024xf32>
      %swap3A_83 = arith.constant 448 : index
      %swap3A_84 = arith.constant 0 : index
      %swap3A_85 = vector.load %arg3[%swap3A_83, %swap3A_84] : memref<2048x1024xf32, #tpu.memory_space<vmem>>, vector<64x1024xf32>
      tpu.vector_store %arg3[%swap3A_83, %swap3A_84], %sub3A_82 {strides = array<i32>} : memref<2048x1024xf32, #tpu.memory_space<vmem>>, vector<64x1024xf32>,
      %get3A_86 = arith.constant 0 : index
      %get3A_87 = arith.constant 512 : index
      %get3A_88 = vector.load %arg1[%get3A_86, %get3A_87] : memref<65x2048xbf16, #tpu.memory_space<vmem>>, vector<65x64xbf16>
      %dot_general3A_89 = arith.constant dense<0.000000e+00> : vector<64x1024xf32>
      %dot_general3A_90 = tpu.matmul %get3A_88, %convert_element_type3A, %dot_general3A_89 {dimension_numbers = #tpu.dot_dimension_numbers<[0], [0], [1], [1], [0, 1, 1, 1], [], []>, transpose_lhs_hint = false} : vector<65x64xbf16>, vector<65x1024xbf16>, vector<64x1024xf32> -> vector<64x1024xf32>
      %sub3A_91 = arith.subf %dot_general3A_90, %broadcast_in_dim3A_16 : vector<64x1024xf32>
      %swap3A_92 = arith.constant 512 : index
      %swap3A_93 = arith.constant 0 : index
      %swap3A_94 = vector.load %arg3[%swap3A_92, %swap3A_93] : memref<2048x1024xf32, #tpu.memory_space<vmem>>, vector<64x1024xf32>
      tpu.vector_store %arg3[%swap3A_92, %swap3A_93], %sub3A_91 {strides = array<i32>} : memref<2048x1024xf32, #tpu.memory_space<vmem>>, vector<64x1024xf32>,
      %get3A_95 = arith.constant 0 : index
      %get3A_96 = arith.constant 576 : index
      %get3A_97 = vector.load %arg1[%get3A_95, %get3A_96] : memref<65x2048xbf16, #tpu.memory_space<vmem>>, vector<65x64xbf16>
      %dot_general3A_98 = arith.constant dense<0.000000e+00> : vector<64x1024xf32>
      %dot_general3A_99 = tpu.matmul %get3A_97, %convert_element_type3A, %dot_general3A_98 {dimension_numbers = #tpu.dot_dimension_numbers<[0], [0], [1], [1], [0, 1, 1, 1], [], []>, transpose_lhs_hint = false} : vector<65x64xbf16>, vector<65x1024xbf16>, vector<64x1024xf32> -> vector<64x1024xf32>
      %sub3A_100 = arith.subf %dot_general3A_99, %broadcast_in_dim3A_16 : vector<64x1024xf32>
      %swap3A_101 = arith.constant 576 : index
      %swap3A_102 = arith.constant 0 : index
      %swap3A_103 = vector.load %arg3[%swap3A_101, %swap3A_102] : memref<2048x1024xf32, #tpu.memory_space<vmem>>, vector<64x1024xf32>
      tpu.vector_store %arg3[%swap3A_101, %swap3A_102], %sub3A_100 {strides = array<i32>} : memref<2048x1024xf32, #tpu.memory_space<vmem>>, vector<64x1024xf32>,
      %get3A_104 = arith.constant 0 : index
      %get3A_105 = arith.constant 640 : index
      %get3A_106 = vector.load %arg1[%get3A_104, %get3A_105] : memref<65x2048xbf16, #tpu.memory_space<vmem>>, vector<65x64xbf16>
      %dot_general3A_107 = arith.constant dense<0.000000e+00> : vector<64x1024xf32>
      %dot_general3A_108 = tpu.matmul %get3A_106, %convert_element_type3A, %dot_general3A_107 {dimension_numbers = #tpu.dot_dimension_numbers<[0], [0], [1], [1], [0, 1, 1, 1], [], []>, transpose_lhs_hint = false} : vector<65x64xbf16>, vector<65x1024xbf16>, vector<64x1024xf32> -> vector<64x1024xf32>
      %sub3A_109 = arith.subf %dot_general3A_108, %broadcast_in_dim3A_16 : vector<64x1024xf32>
      %swap3A_110 = arith.constant 640 : index
      %swap3A_111 = arith.constant 0 : index
      %swap3A_112 = vector.load %arg3[%swap3A_110, %swap3A_111] : memref<2048x1024xf32, #tpu.memory_space<vmem>>, vector<64x1024xf32>
      tpu.vector_store %arg3[%swap3A_110, %swap3A_111], %sub3A_109 {strides = array<i32>} : memref<2048x1024xf32, #tpu.memory_space<vmem>>, vector<64x1024xf32>,
      %get3A_113 = arith.constant 0 : index
      %get3A_114 = arith.constant 704 : index
      %get3A_115 = vector.load %arg1[%get3A_113, %get3A_114] : memref<65x2048xbf16, #tpu.memory_space<vmem>>, vector<65x64xbf16>
      %dot_general3A_116 = arith.constant dense<0.000000e+00> : vector<64x1024xf32>
      %dot_general3A_117 = tpu.matmul %get3A_115, %convert_element_type3A, %dot_general3A_116 {dimension_numbers = #tpu.dot_dimension_numbers<[0], [0], [1], [1], [0, 1, 1, 1], [], []>, transpose_lhs_hint = false} : vector<65x64xbf16>, vector<65x1024xbf16>, vector<64x1024xf32> -> vector<64x1024xf32>
      %sub3A_118 = arith.subf %dot_general3A_117, %broadcast_in_dim3A_16 : vector<64x1024xf32>
      %swap3A_119 = arith.constant 704 : index
      %swap3A_120 = arith.constant 0 : index
      %swap3A_121 = vector.load %arg3[%swap3A_119, %swap3A_120] : memref<2048x1024xf32, #tpu.memory_space<vmem>>, vector<64x1024xf32>
      tpu.vector_store %arg3[%swap3A_119, %swap3A_120], %sub3A_118 {strides = array<i32>} : memref<2048x1024xf32, #tpu.memory_space<vmem>>, vector<64x1024xf32>,
      %get3A_122 = arith.constant 0 : index
      %get3A_123 = arith.constant 768 : index
      %get3A_124 = vector.load %arg1[%get3A_122, %get3A_123] : memref<65x2048xbf16, #tpu.memory_space<vmem>>, vector<65x64xbf16>
      %dot_general3A_125 = arith.constant dense<0.000000e+00> : vector<64x1024xf32>
      %dot_general3A_126 = tpu.matmul %get3A_124, %convert_element_type3A, %dot_general3A_125 {dimension_numbers = #tpu.dot_dimension_numbers<[0], [0], [1], [1], [0, 1, 1, 1], [], []>, transpose_lhs_hint = false} : vector<65x64xbf16>, vector<65x1024xbf16>, vector<64x1024xf32> -> vector<64x1024xf32>
      %sub3A_127 = arith.subf %dot_general3A_126, %broadcast_in_dim3A_16 : vector<64x1024xf32>
      %swap3A_128 = arith.constant 768 : index
      %swap3A_129 = arith.constant 0 : index
      %swap3A_130 = vector.load %arg3[%swap3A_128, %swap3A_129] : memref<2048x1024xf32, #tpu.memory_space<vmem>>, vector<64x1024xf32>
      tpu.vector_store %arg3[%swap3A_128, %swap3A_129], %sub3A_127 {strides = array<i32>} : memref<2048x1024xf32, #tpu.memory_space<vmem>>, vector<64x1024xf32>,
      %get3A_131 = arith.constant 0 : index
      %get3A_132 = arith.constant 832 : index
      %get3A_133 = vector.load %arg1[%get3A_131, %get3A_132] : memref<65x2048xbf16, #tpu.memory_space<vmem>>, vector<65x64xbf16>
      %dot_general3A_134 = arith.constant dense<0.000000e+00> : vector<64x1024xf32>
      %dot_general3A_135 = tpu.matmul %get3A_133, %convert_element_type3A, %dot_general3A_134 {dimension_numbers = #tpu.dot_dimension_numbers<[0], [0], [1], [1], [0, 1, 1, 1], [], []>, transpose_lhs_hint = false} : vector<65x64xbf16>, vector<65x1024xbf16>, vector<64x1024xf32> -> vector<64x1024xf32>
      %sub3A_136 = arith.subf %dot_general3A_135, %broadcast_in_dim3A_16 : vector<64x1024xf32>
      %swap3A_137 = arith.constant 832 : index
      %swap3A_138 = arith.constant 0 : index
      %swap3A_139 = vector.load %arg3[%swap3A_137, %swap3A_138] : memref<2048x1024xf32, #tpu.memory_space<vmem>>, vector<64x1024xf32>
      tpu.vector_store %arg3[%swap3A_137, %swap3A_138], %sub3A_136 {strides = array<i32>} : memref<2048x1024xf32, #tpu.memory_space<vmem>>, vector<64x1024xf32>,
      %get3A_140 = arith.constant 0 : index
      %get3A_141 = arith.constant 896 : index
      %get3A_142 = vector.load %arg1[%get3A_140, %get3A_141] : memref<65x2048xbf16, #tpu.memory_space<vmem>>, vector<65x64xbf16>
      %dot_general3A_143 = arith.constant dense<0.000000e+00> : vector<64x1024xf32>
      %dot_general3A_144 = tpu.matmul %get3A_142, %convert_element_type3A, %dot_general3A_143 {dimension_numbers = #tpu.dot_dimension_numbers<[0], [0], [1], [1], [0, 1, 1, 1], [], []>, transpose_lhs_hint = false} : vector<65x64xbf16>, vector<65x1024xbf16>, vector<64x1024xf32> -> vector<64x1024xf32>
      %sub3A_145 = arith.subf %dot_general3A_144, %broadcast_in_dim3A_16 : vector<64x1024xf32>
      %swap3A_146 = arith.constant 896 : index
      %swap3A_147 = arith.constant 0 : index
      %swap3A_148 = vector.load %arg3[%swap3A_146, %swap3A_147] : memref<2048x1024xf32, #tpu.memory_space<vmem>>, vector<64x1024xf32>
      tpu.vector_store %arg3[%swap3A_146, %swap3A_147], %sub3A_145 {strides = array<i32>} : memref<2048x1024xf32, #tpu.memory_space<vmem>>, vector<64x1024xf32>,
      %get3A_149 = arith.constant 0 : index
      %get3A_150 = arith.constant 960 : index
      %get3A_151 = vector.load %arg1[%get3A_149, %get3A_150] : memref<65x2048xbf16, #tpu.memory_space<vmem>>, vector<65x64xbf16>
      %dot_general3A_152 = arith.constant dense<0.000000e+00> : vector<64x1024xf32>
      %dot_general3A_153 = tpu.matmul %get3A_151, %convert_element_type3A, %dot_general3A_152 {dimension_numbers = #tpu.dot_dimension_numbers<[0], [0], [1], [1], [0, 1, 1, 1], [], []>, transpose_lhs_hint = false} : vector<65x64xbf16>, vector<65x1024xbf16>, vector<64x1024xf32> -> vector<64x1024xf32>
      %sub3A_154 = arith.subf %dot_general3A_153, %broadcast_in_dim3A_16 : vector<64x1024xf32>
      %swap3A_155 = arith.constant 960 : index
      %swap3A_156 = arith.constant 0 : index
      %swap3A_157 = vector.load %arg3[%swap3A_155, %swap3A_156] : memref<2048x1024xf32, #tpu.memory_space<vmem>>, vector<64x1024xf32>
      tpu.vector_store %arg3[%swap3A_155, %swap3A_156], %sub3A_154 {strides = array<i32>} : memref<2048x1024xf32, #tpu.memory_space<vmem>>, vector<64x1024xf32>,
      %get3A_158 = arith.constant 0 : index
      %get3A_159 = arith.constant 1024 : index
      %get3A_160 = vector.load %arg1[%get3A_158, %get3A_159] : memref<65x2048xbf16, #tpu.memory_space<vmem>>, vector<65x64xbf16>
      %dot_general3A_161 = arith.constant dense<0.000000e+00> : vector<64x1024xf32>
      %dot_general3A_162 = tpu.matmul %get3A_160, %convert_element_type3A, %dot_general3A_161 {dimension_numbers = #tpu.dot_dimension_numbers<[0], [0], [1], [1], [0, 1, 1, 1], [], []>, transpose_lhs_hint = false} : vector<65x64xbf16>, vector<65x1024xbf16>, vector<64x1024xf32> -> vector<64x1024xf32>
      %sub3A_163 = arith.subf %dot_general3A_162, %broadcast_in_dim3A_16 : vector<64x1024xf32>
      %swap3A_164 = arith.constant 1024 : index
      %swap3A_165 = arith.constant 0 : index
      %swap3A_166 = vector.load %arg3[%swap3A_164, %swap3A_165] : memref<2048x1024xf32, #tpu.memory_space<vmem>>, vector<64x1024xf32>
      tpu.vector_store %arg3[%swap3A_164, %swap3A_165], %sub3A_163 {strides = array<i32>} : memref<2048x1024xf32, #tpu.memory_space<vmem>>, vector<64x1024xf32>,
      %get3A_167 = arith.constant 0 : index
      %get3A_168 = arith.constant 1088 : index
      %get3A_169 = vector.load %arg1[%get3A_167, %get3A_168] : memref<65x2048xbf16, #tpu.memory_space<vmem>>, vector<65x64xbf16>
      %dot_general3A_170 = arith.constant dense<0.000000e+00> : vector<64x1024xf32>
      %dot_general3A_171 = tpu.matmul %get3A_169, %convert_element_type3A, %dot_general3A_170 {dimension_numbers = #tpu.dot_dimension_numbers<[0], [0], [1], [1], [0, 1, 1, 1], [], []>, transpose_lhs_hint = false} : vector<65x64xbf16>, vector<65x1024xbf16>, vector<64x1024xf32> -> vector<64x1024xf32>
      %sub3A_172 = arith.subf %dot_general3A_171, %broadcast_in_dim3A_16 : vector<64x1024xf32>
      %swap3A_173 = arith.constant 1088 : index
      %swap3A_174 = arith.constant 0 : index
      %swap3A_175 = vector.load %arg3[%swap3A_173, %swap3A_174] : memref<2048x1024xf32, #tpu.memory_space<vmem>>, vector<64x1024xf32>
      tpu.vector_store %arg3[%swap3A_173, %swap3A_174], %sub3A_172 {strides = array<i32>} : memref<2048x1024xf32, #tpu.memory_space<vmem>>, vector<64x1024xf32>,
      %get3A_176 = arith.constant 0 : index
      %get3A_177 = arith.constant 1152 : index
      %get3A_178 = vector.load %arg1[%get3A_176, %get3A_177] : memref<65x2048xbf16, #tpu.memory_space<vmem>>, vector<65x64xbf16>
      %dot_general3A_179 = arith.constant dense<0.000000e+00> : vector<64x1024xf32>
      %dot_general3A_180 = tpu.matmul %get3A_178, %convert_element_type3A, %dot_general3A_179 {dimension_numbers = #tpu.dot_dimension_numbers<[0], [0], [1], [1], [0, 1, 1, 1], [], []>, transpose_lhs_hint = false} : vector<65x64xbf16>, vector<65x1024xbf16>, vector<64x1024xf32> -> vector<64x1024xf32>
      %sub3A_181 = arith.subf %dot_general3A_180, %broadcast_in_dim3A_16 : vector<64x1024xf32>
      %swap3A_182 = arith.constant 1152 : index
      %swap3A_183 = arith.constant 0 : index
      %swap3A_184 = vector.load %arg3[%swap3A_182, %swap3A_183] : memref<2048x1024xf32, #tpu.memory_space<vmem>>, vector<64x1024xf32>
      tpu.vector_store %arg3[%swap3A_182, %swap3A_183], %sub3A_181 {strides = array<i32>} : memref<2048x1024xf32, #tpu.memory_space<vmem>>, vector<64x1024xf32>,
      %get3A_185 = arith.constant 0 : index
      %get3A_186 = arith.constant 1216 : index
      %get3A_187 = vector.load %arg1[%get3A_185, %get3A_186] : memref<65x2048xbf16, #tpu.memory_space<vmem>>, vector<65x64xbf16>
      %dot_general3A_188 = arith.constant dense<0.000000e+00> : vector<64x1024xf32>
      %dot_general3A_189 = tpu.matmul %get3A_187, %convert_element_type3A, %dot_general3A_188 {dimension_numbers = #tpu.dot_dimension_numbers<[0], [0], [1], [1], [0, 1, 1, 1], [], []>, transpose_lhs_hint = false} : vector<65x64xbf16>, vector<65x1024xbf16>, vector<64x1024xf32> -> vector<64x1024xf32>
      %sub3A_190 = arith.subf %dot_general3A_189, %broadcast_in_dim3A_16 : vector<64x1024xf32>
      %swap3A_191 = arith.constant 1216 : index
      %swap3A_192 = arith.constant 0 : index
      %swap3A_193 = vector.load %arg3[%swap3A_191, %swap3A_192] : memref<2048x1024xf32, #tpu.memory_space<vmem>>, vector<64x1024xf32>
      tpu.vector_store %arg3[%swap3A_191, %swap3A_192], %sub3A_190 {strides = array<i32>} : memref<2048x1024xf32, #tpu.memory_space<vmem>>, vector<64x1024xf32>,
      %get3A_194 = arith.constant 0 : index
      %get3A_195 = arith.constant 1280 : index
      %get3A_196 = vector.load %arg1[%get3A_194, %get3A_195] : memref<65x2048xbf16, #tpu.memory_space<vmem>>, vector<65x64xbf16>
      %dot_general3A_197 = arith.constant dense<0.000000e+00> : vector<64x1024xf32>
      %dot_general3A_198 = tpu.matmul %get3A_196, %convert_element_type3A, %dot_general3A_197 {dimension_numbers = #tpu.dot_dimension_numbers<[0], [0], [1], [1], [0, 1, 1, 1], [], []>, transpose_lhs_hint = false} : vector<65x64xbf16>, vector<65x1024xbf16>, vector<64x1024xf32> -> vector<64x1024xf32>
      %sub3A_199 = arith.subf %dot_general3A_198, %broadcast_in_dim3A_16 : vector<64x1024xf32>
      %swap3A_200 = arith.constant 1280 : index
      %swap3A_201 = arith.constant 0 : index
      %swap3A_202 = vector.load %arg3[%swap3A_200, %swap3A_201] : memref<2048x1024xf32, #tpu.memory_space<vmem>>, vector<64x1024xf32>
      tpu.vector_store %arg3[%swap3A_200, %swap3A_201], %sub3A_199 {strides = array<i32>} : memref<2048x1024xf32, #tpu.memory_space<vmem>>, vector<64x1024xf32>,
      %get3A_203 = arith.constant 0 : index
      %get3A_204 = arith.constant 1344 : index
      %get3A_205 = vector.load %arg1[%get3A_203, %get3A_204] : memref<65x2048xbf16, #tpu.memory_space<vmem>>, vector<65x64xbf16>
      %dot_general3A_206 = arith.constant dense<0.000000e+00> : vector<64x1024xf32>
      %dot_general3A_207 = tpu.matmul %get3A_205, %convert_element_type3A, %dot_general3A_206 {dimension_numbers = #tpu.dot_dimension_numbers<[0], [0], [1], [1], [0, 1, 1, 1], [], []>, transpose_lhs_hint = false} : vector<65x64xbf16>, vector<65x1024xbf16>, vector<64x1024xf32> -> vector<64x1024xf32>
      %sub3A_208 = arith.subf %dot_general3A_207, %broadcast_in_dim3A_16 : vector<64x1024xf32>
      %swap3A_209 = arith.constant 1344 : index
      %swap3A_210 = arith.constant 0 : index
      %swap3A_211 = vector.load %arg3[%swap3A_209, %swap3A_210] : memref<2048x1024xf32, #tpu.memory_space<vmem>>, vector<64x1024xf32>
      tpu.vector_store %arg3[%swap3A_209, %swap3A_210], %sub3A_208 {strides = array<i32>} : memref<2048x1024xf32, #tpu.memory_space<vmem>>, vector<64x1024xf32>,
      %get3A_212 = arith.constant 0 : index
      %get3A_213 = arith.constant 1408 : index
      %get3A_214 = vector.load %arg1[%get3A_212, %get3A_213] : memref<65x2048xbf16, #tpu.memory_space<vmem>>, vector<65x64xbf16>
      %dot_general3A_215 = arith.constant dense<0.000000e+00> : vector<64x1024xf32>
      %dot_general3A_216 = tpu.matmul %get3A_214, %convert_element_type3A, %dot_general3A_215 {dimension_numbers = #tpu.dot_dimension_numbers<[0], [0], [1], [1], [0, 1, 1, 1], [], []>, transpose_lhs_hint = false} : vector<65x64xbf16>, vector<65x1024xbf16>, vector<64x1024xf32> -> vector<64x1024xf32>
      %sub3A_217 = arith.subf %dot_general3A_216, %broadcast_in_dim3A_16 : vector<64x1024xf32>
      %swap3A_218 = arith.constant 1408 : index
      %swap3A_219 = arith.constant 0 : index
      %swap3A_220 = vector.load %arg3[%swap3A_218, %swap3A_219] : memref<2048x1024xf32, #tpu.memory_space<vmem>>, vector<64x1024xf32>
      tpu.vector_store %arg3[%swap3A_218, %swap3A_219], %sub3A_217 {strides = array<i32>} : memref<2048x1024xf32, #tpu.memory_space<vmem>>, vector<64x1024xf32>,
      %get3A_221 = arith.constant 0 : index
      %get3A_222 = arith.constant 1472 : index
      %get3A_223 = vector.load %arg1[%get3A_221, %get3A_222] : memref<65x2048xbf16, #tpu.memory_space<vmem>>, vector<65x64xbf16>
      %dot_general3A_224 = arith.constant dense<0.000000e+00> : vector<64x1024xf32>
      %dot_general3A_225 = tpu.matmul %get3A_223, %convert_element_type3A, %dot_general3A_224 {dimension_numbers = #tpu.dot_dimension_numbers<[0], [0], [1], [1], [0, 1, 1, 1], [], []>, transpose_lhs_hint = false} : vector<65x64xbf16>, vector<65x1024xbf16>, vector<64x1024xf32> -> vector<64x1024xf32>
      %sub3A_226 = arith.subf %dot_general3A_225, %broadcast_in_dim3A_16 : vector<64x1024xf32>
      %swap3A_227 = arith.constant 1472 : index
      %swap3A_228 = arith.constant 0 : index
      %swap3A_229 = vector.load %arg3[%swap3A_227, %swap3A_228] : memref<2048x1024xf32, #tpu.memory_space<vmem>>, vector<64x1024xf32>
      tpu.vector_store %arg3[%swap3A_227, %swap3A_228], %sub3A_226 {strides = array<i32>} : memref<2048x1024xf32, #tpu.memory_space<vmem>>, vector<64x1024xf32>,
      %get3A_230 = arith.constant 0 : index
      %get3A_231 = arith.constant 1536 : index
      %get3A_232 = vector.load %arg1[%get3A_230, %get3A_231] : memref<65x2048xbf16, #tpu.memory_space<vmem>>, vector<65x64xbf16>
      %dot_general3A_233 = arith.constant dense<0.000000e+00> : vector<64x1024xf32>
      %dot_general3A_234 = tpu.matmul %get3A_232, %convert_element_type3A, %dot_general3A_233 {dimension_numbers = #tpu.dot_dimension_numbers<[0], [0], [1], [1], [0, 1, 1, 1], [], []>, transpose_lhs_hint = false} : vector<65x64xbf16>, vector<65x1024xbf16>, vector<64x1024xf32> -> vector<64x1024xf32>
      %sub3A_235 = arith.subf %dot_general3A_234, %broadcast_in_dim3A_16 : vector<64x1024xf32>
      %swap3A_236 = arith.constant 1536 : index
      %swap3A_237 = arith.constant 0 : index
      %swap3A_238 = vector.load %arg3[%swap3A_236, %swap3A_237] : memref<2048x1024xf32, #tpu.memory_space<vmem>>, vector<64x1024xf32>
      tpu.vector_store %arg3[%swap3A_236, %swap3A_237], %sub3A_235 {strides = array<i32>} : memref<2048x1024xf32, #tpu.memory_space<vmem>>, vector<64x1024xf32>,
      %get3A_239 = arith.constant 0 : index
      %get3A_240 = arith.constant 1600 : index
      %get3A_241 = vector.load %arg1[%get3A_239, %get3A_240] : memref<65x2048xbf16, #tpu.memory_space<vmem>>, vector<65x64xbf16>
      %dot_general3A_242 = arith.constant dense<0.000000e+00> : vector<64x1024xf32>
      %dot_general3A_243 = tpu.matmul %get3A_241, %convert_element_type3A, %dot_general3A_242 {dimension_numbers = #tpu.dot_dimension_numbers<[0], [0], [1], [1], [0, 1, 1, 1], [], []>, transpose_lhs_hint = false} : vector<65x64xbf16>, vector<65x1024xbf16>, vector<64x1024xf32> -> vector<64x1024xf32>
      %sub3A_244 = arith.subf %dot_general3A_243, %broadcast_in_dim3A_16 : vector<64x1024xf32>
      %swap3A_245 = arith.constant 1600 : index
      %swap3A_246 = arith.constant 0 : index
      %swap3A_247 = vector.load %arg3[%swap3A_245, %swap3A_246] : memref<2048x1024xf32, #tpu.memory_space<vmem>>, vector<64x1024xf32>
      tpu.vector_store %arg3[%swap3A_245, %swap3A_246], %sub3A_244 {strides = array<i32>} : memref<2048x1024xf32, #tpu.memory_space<vmem>>, vector<64x1024xf32>,
      %get3A_248 = arith.constant 0 : index
      %get3A_249 = arith.constant 1664 : index
      %get3A_250 = vector.load %arg1[%get3A_248, %get3A_249] : memref<65x2048xbf16, #tpu.memory_space<vmem>>, vector<65x64xbf16>
      %dot_general3A_251 = arith.constant dense<0.000000e+00> : vector<64x1024xf32>
      %dot_general3A_252 = tpu.matmul %get3A_250, %convert_element_type3A, %dot_general3A_251 {dimension_numbers = #tpu.dot_dimension_numbers<[0], [0], [1], [1], [0, 1, 1, 1], [], []>, transpose_lhs_hint = false} : vector<65x64xbf16>, vector<65x1024xbf16>, vector<64x1024xf32> -> vector<64x1024xf32>
      %sub3A_253 = arith.subf %dot_general3A_252, %broadcast_in_dim3A_16 : vector<64x1024xf32>
      %swap3A_254 = arith.constant 1664 : index
      %swap3A_255 = arith.constant 0 : index
      %swap3A_256 = vector.load %arg3[%swap3A_254, %swap3A_255] : memref<2048x1024xf32, #tpu.memory_space<vmem>>, vector<64x1024xf32>
      tpu.vector_store %arg3[%swap3A_254, %swap3A_255], %sub3A_253 {strides = array<i32>} : memref<2048x1024xf32, #tpu.memory_space<vmem>>, vector<64x1024xf32>,
      %get3A_257 = arith.constant 0 : index
      %get3A_258 = arith.constant 1728 : index
      %get3A_259 = vector.load %arg1[%get3A_257, %get3A_258] : memref<65x2048xbf16, #tpu.memory_space<vmem>>, vector<65x64xbf16>
      %dot_general3A_260 = arith.constant dense<0.000000e+00> : vector<64x1024xf32>
      %dot_general3A_261 = tpu.matmul %get3A_259, %convert_element_type3A, %dot_general3A_260 {dimension_numbers = #tpu.dot_dimension_numbers<[0], [0], [1], [1], [0, 1, 1, 1], [], []>, transpose_lhs_hint = false} : vector<65x64xbf16>, vector<65x1024xbf16>, vector<64x1024xf32> -> vector<64x1024xf32>
      %sub3A_262 = arith.subf %dot_general3A_261, %broadcast_in_dim3A_16 : vector<64x1024xf32>
      %swap3A_263 = arith.constant 1728 : index
      %swap3A_264 = arith.constant 0 : index
      %swap3A_265 = vector.load %arg3[%swap3A_263, %swap3A_264] : memref<2048x1024xf32, #tpu.memory_space<vmem>>, vector<64x1024xf32>
      tpu.vector_store %arg3[%swap3A_263, %swap3A_264], %sub3A_262 {strides = array<i32>} : memref<2048x1024xf32, #tpu.memory_space<vmem>>, vector<64x1024xf32>,
      %get3A_266 = arith.constant 0 : index
      %get3A_267 = arith.constant 1792 : index
      %get3A_268 = vector.load %arg1[%get3A_266, %get3A_267] : memref<65x2048xbf16, #tpu.memory_space<vmem>>, vector<65x64xbf16>
      %dot_general3A_269 = arith.constant dense<0.000000e+00> : vector<64x1024xf32>
      %dot_general3A_270 = tpu.matmul %get3A_268, %convert_element_type3A, %dot_general3A_269 {dimension_numbers = #tpu.dot_dimension_numbers<[0], [0], [1], [1], [0, 1, 1, 1], [], []>, transpose_lhs_hint = false} : vector<65x64xbf16>, vector<65x1024xbf16>, vector<64x1024xf32> -> vector<64x1024xf32>
      %sub3A_271 = arith.subf %dot_general3A_270, %broadcast_in_dim3A_16 : vector<64x1024xf32>
      %swap3A_272 = arith.constant 1792 : index
      %swap3A_273 = arith.constant 0 : index
      %swap3A_274 = vector.load %arg3[%swap3A_272, %swap3A_273] : memref<2048x1024xf32, #tpu.memory_space<vmem>>, vector<64x1024xf32>
      tpu.vector_store %arg3[%swap3A_272, %swap3A_273], %sub3A_271 {strides = array<i32>} : memref<2048x1024xf32, #tpu.memory_space<vmem>>, vector<64x1024xf32>,
      %get3A_275 = arith.constant 0 : index
      %get3A_276 = arith.constant 1856 : index
      %get3A_277 = vector.load %arg1[%get3A_275, %get3A_276] : memref<65x2048xbf16, #tpu.memory_space<vmem>>, vector<65x64xbf16>
      %dot_general3A_278 = arith.constant dense<0.000000e+00> : vector<64x1024xf32>
      %dot_general3A_279 = tpu.matmul %get3A_277, %convert_element_type3A, %dot_general3A_278 {dimension_numbers = #tpu.dot_dimension_numbers<[0], [0], [1], [1], [0, 1, 1, 1], [], []>, transpose_lhs_hint = false} : vector<65x64xbf16>, vector<65x1024xbf16>, vector<64x1024xf32> -> vector<64x1024xf32>
      %sub3A_280 = arith.subf %dot_general3A_279, %broadcast_in_dim3A_16 : vector<64x1024xf32>
      %swap3A_281 = arith.constant 1856 : index
      %swap3A_282 = arith.constant 0 : index
      %swap3A_283 = vector.load %arg3[%swap3A_281, %swap3A_282] : memref<2048x1024xf32, #tpu.memory_space<vmem>>, vector<64x1024xf32>
      tpu.vector_store %arg3[%swap3A_281, %swap3A_282], %sub3A_280 {strides = array<i32>} : memref<2048x1024xf32, #tpu.memory_space<vmem>>, vector<64x1024xf32>,
      %get3A_284 = arith.constant 0 : index
      %get3A_285 = arith.constant 1920 : index
      %get3A_286 = vector.load %arg1[%get3A_284, %get3A_285] : memref<65x2048xbf16, #tpu.memory_space<vmem>>, vector<65x64xbf16>
      %dot_general3A_287 = arith.constant dense<0.000000e+00> : vector<64x1024xf32>
      %dot_general3A_288 = tpu.matmul %get3A_286, %convert_element_type3A, %dot_general3A_287 {dimension_numbers = #tpu.dot_dimension_numbers<[0], [0], [1], [1], [0, 1, 1, 1], [], []>, transpose_lhs_hint = false} : vector<65x64xbf16>, vector<65x1024xbf16>, vector<64x1024xf32> -> vector<64x1024xf32>
      %sub3A_289 = arith.subf %dot_general3A_288, %broadcast_in_dim3A_16 : vector<64x1024xf32>
      %swap3A_290 = arith.constant 1920 : index
      %swap3A_291 = arith.constant 0 : index
      %swap3A_292 = vector.load %arg3[%swap3A_290, %swap3A_291] : memref<2048x1024xf32, #tpu.memory_space<vmem>>, vector<64x1024xf32>
      tpu.vector_store %arg3[%swap3A_290, %swap3A_291], %sub3A_289 {strides = array<i32>} : memref<2048x1024xf32, #tpu.memory_space<vmem>>, vector<64x1024xf32>,
      %get3A_293 = arith.constant 0 : index
      %get3A_294 = arith.constant 1984 : index
      %get3A_295 = vector.load %arg1[%get3A_293, %get3A_294] : memref<65x2048xbf16, #tpu.memory_space<vmem>>, vector<65x64xbf16>
      %dot_general3A_296 = arith.constant dense<0.000000e+00> : vector<64x1024xf32>
      %dot_general3A_297 = tpu.matmul %get3A_295, %convert_element_type3A, %dot_general3A_296 {dimension_numbers = #tpu.dot_dimension_numbers<[0], [0], [1], [1], [0, 1, 1, 1], [], []>, transpose_lhs_hint = false} : vector<65x64xbf16>, vector<65x1024xbf16>, vector<64x1024xf32> -> vector<64x1024xf32>
      %sub3A_298 = arith.subf %dot_general3A_297, %broadcast_in_dim3A_16 : vector<64x1024xf32>
      %swap3A_299 = arith.constant 1984 : index
      %swap3A_300 = arith.constant 0 : index
      %swap3A_301 = vector.load %arg3[%swap3A_299, %swap3A_300] : memref<2048x1024xf32, #tpu.memory_space<vmem>>, vector<64x1024xf32>
      tpu.vector_store %arg3[%swap3A_299, %swap3A_300], %sub3A_298 {strides = array<i32>} : memref<2048x1024xf32, #tpu.memory_space<vmem>>, vector<64x1024xf32>,
    } else {
    }
    return
  }
  func.func @transform_0(%arg0: i32) -> (i32, i32) {
    %rem3A = arith.constant 49 : i32
    %rem3A_0 = arith.remsi %arg0, %rem3A : i32
    %c0_i32 = arith.constant 0 : i32
    %c0_i32_1 = arith.constant 0 : i32
    return %c0_i32, %rem3A_0 : i32, i32
  }
  func.func @transform_1(%arg0: i32) -> (i32, i32) {
    %c0_i32 = arith.constant 0 : i32
    %c0_i32_0 = arith.constant 0 : i32
    %c0_i32_1 = arith.constant 0 : i32
    return %c0_i32, %c0_i32_0 : i32, i32
  }
  func.func @transform_2(%arg0: i32) -> (i32, i32) {
    %sub3A = arith.constant 49 : i32
    %sub3A_0 = arith.subi %arg0, %sub3A : i32
    %max3A = arith.constant 0 : i32
    %max3A_1 = arith.maxsi %sub3A_0, %max3A : i32
    %c0_i32 = arith.constant 0 : i32
    %c0_i32_2 = arith.constant 0 : i32
    return %max3A_1, %c0_i32 : i32, i32
  }
}

</mosaic_0001>

<sc_bundles>
// kernel: kernel.4.cloned.1.call-start
scs
__scs_entry_jumppad:
0x0: {  	(pc) =	sbr.rel $0x88, $3  }
0x1: {  	(tag) =	ssettag $0x0;
	lr =	simm.s32 $0x1  }
0x2: {  	[smem:$0x3F9D] =	sst lr;
	_ =	strace $0xD0000000  }
0x3: {  	_ = 	snop  }
0x4: {  	_ = 	snop  }
0x5: {  	_ = 	snop  }
0x6: {  	_ = 	snop  }
0x7: {  	_ = 	snop  }
__scs_overlays_trampoline_lowered:
0x8: {  	[smem:$0x3FAC] =	sst s0  }
0x9: {  	[smem:$0x3FAD] =	sst s1  }
0xa: {  	[smem:$0x3FAE] =	sst s2  }
0xb: {  	[smem:$0x3FAF] =	sst s3  }
0xc: {  	[smem:$0x3FB0] =	sst s4  }
0xd: {  	[smem:$0x3FB1] =	sst s5  }
0xe: {  	[smem:$0x3FB2] =	sst s6  }
0xf: {  	[smem:$0x3FB3] =	sst s7  }
0x10: {  	[smem:$0x3FB4] =	sst s8  }
0x11: {  	[smem:$0x3FB5] =	sst s9;
	s0 =	simm.s32 @!p0 $0x0  }
0x12: {  	s1 =	sld [smem:$0x3F9B];
	s0 =	simm.s32 @p0 $0x1  }
0x13: {  	[smem:$0x3FB6] =	sst s0;
	s0 =	simm.s32 @!p1 $0x0  }
0x14: {  	s2 =	sld [smem:$0x3F9A];
	s0 =	simm.s32 @p1 $0x1  }
0x15: {  	[smem:$0x3FB7] =	sst s0;
	s0 =	simm.s32 @!p2 $0x0  }
0x16: {  	s3 =	sld [smem:$0x3FDB];
	s0 =	simm.s32 @p2 $0x1  }
0x17: {  	s4 =	simm.s32 $0x1BF5;
	[smem:$0x3FB9] =	sst s0  }
0x18: {  	s0 =	sld [smem:$0x3F9C];
	_ =	swait.ge [sflag:s4], $0x0  }
0x19: {  	s7 =	sld [smem:$0x3F9D]  }
0x1a: {  	s8 =	sadd.s32 $0xFFFFE003, lr  }
0x1b: {  	s9 =	sadd.s32 $0xFFFFFEF7, lr;
	s5 =	simm.s32 $0xFFFFFFFF;
	p2 =	slt.u32 s8, $0xFFFFF086  }
0x1c: {  	p1 =	slt.u32 s9, $0xF7A;
	s5 =	simm.s32 @!p2 $0x0  }
0x1d: {  	s5 =	simm.s32 @p1 $0x1;
	p0 =	seq.s32 s7, s2  }
0x1e: {  	s7 =	smul.u32 @!p0 $0xF7A, s2;
	p2 =	seq.s32 @!p0 s5, $0x0  }
0x1f: {  	s9 =	smul.u32 $0xF7A, s1;
	s8 =	simm.s32 @!p0 $0x1BF5;
	p2 =	por !p2, p0  }
0x20: {  	[sflag:s8] =	ssyncset.s32 @!p0 $0xFFFFF086;
	s6 =	sadd.s32 @!p0 s3, s7;
	s7 =	simm.s32 @!p0 $0x108  }
0x21: {  	s3 =	sadd.s32 s3, s9;
	s6 =	sadd.s32 @!p0 $0x88, s6;
	s7 =	simm.s32 @p2 $0x1082  }
0x22: {  	[simem:s7], [sflag:s8] =	dma.local @!p0 [hbm:s6], $0xF7A  }
0x23: {  	s9 =	sor.u32 $0xD0000000, s2;
	s6 =	simm.s32 $0x108;
	_ =	swait.ge @!p0 [sflag:s8], $0x0  }
0x24: {  	s3 =	sadd.s32 $0x88, s3;
	s6 =	simm.s32 @!p1 $0x1082;
	[sflag:s4] =	ssyncset.s32 $0xFFFFF086  }
0x25: {  	[simem:s6], [sflag:s4] =	dma.local [hbm:s3], $0xF7A  }
0x26: {  	[smem:$0x3F9D] =	sst s1;
	(tag) =	ssettag s2;
	_ =	strace s9  }
0x27: {  	s1 =	sld [smem:$0x3FAD]  }
0x28: {  	s2 =	sld [smem:$0x3FAE]  }
0x29: {  	s4 =	sld [smem:$0x3FB0]  }
0x2a: {  	p0 =	seq.s32 s5, $0x0;
	s5 =	sld [smem:$0x3FB1]  }
0x2b: {  	s6 =	sld [smem:$0x3FB2]  }
0x2c: {  	s7 =	sld [smem:$0x3FB3]  }
0x2d: {  	s3 =	simm.s32 $0x108;
	s8 =	sld [smem:$0x3FB4]  }
0x2e: {  	s3 =	simm.s32 @!p0 $0x1082;
	s9 =	sld [smem:$0x3FB5]  }
0x2f: {  	lr =	sadd.s32 s0, s3;
	s0 =	sld [smem:$0x3FAC]  }
0x30: {  	s3 =	sld [smem:$0x3FAF]  }
0x31: {  	[smem:$0x3FB8] =	sst s10  }
0x32: {  	s10 =	sld [smem:$0x3FB6];
	_ =	sdelay $0x3  }
0x33: {  	p0 =	seq.s32 s10, $0x1;
	s10 =	sld [smem:$0x3FB8];
	_ =	sdelay $0x3  }
0x34: {  	[smem:$0x3FB8] =	sst s10  }
0x35: {  	s10 =	sld [smem:$0x3FB7];
	_ =	sdelay $0x3  }
0x36: {  	p1 =	seq.s32 s10, $0x1;
	s10 =	sld [smem:$0x3FB8];
	_ =	sdelay $0x3  }
0x37: {  	[smem:$0x3FB8] =	sst s10  }
0x38: {  	s10 =	sld [smem:$0x3FB9]  }
0x39: {  	_ = 	snop;
	(pc) =	sbr.ind lr, $3  }
0x3a: {  	_ = 	snop  }
0x3b: {  	_ = 	snop  }
0x3c: {  	p2 =	seq.s32 s10, $0x1;
	s10 =	sld [smem:$0x3FB8]  }
0x3d: {  	_ =	shalt  }
0x3e: {  	_ =	shalt  }
0x3f: {  	_ =	shalt  }
0x40: {  	_ =	shalt  }
0x41: {  	_ =	shalt  }
0x42: {  	_ =	shalt  }
0x43: {  	_ =	shalt  }
0x44: {  	_ =	shalt  }
0x45: {  	_ =	shalt  }
0x46: {  	_ =	shalt  }
0x47: {  	_ =	shalt  }
0x48: {  	_ =	shalt  }
0x49: {  	_ =	shalt  }
0x4a: {  	_ =	shalt  }
0x4b: {  	_ =	shalt  }
0x4c: {  	_ =	shalt  }
0x4d: {  	_ =	shalt  }
0x4e: {  	_ =	shalt  }
0x4f: {  	_ =	shalt  }
0x50: {  	_ =	shalt  }
0x51: {  	_ =	shalt  }
0x52: {  	_ =	shalt  }
0x53: {  	_ =	shalt  }
0x54: {  	_ =	shalt  }
0x55: {  	_ =	shalt  }
0x56: {  	_ =	shalt  }
0x57: {  	_ =	shalt  }
0x58: {  	_ =	shalt  }
0x59: {  	_ =	shalt  }
0x5a: {  	_ =	shalt  }
0x5b: {  	_ =	shalt  }
0x5c: {  	_ =	shalt  }
0x5d: {  	_ =	shalt  }
0x5e: {  	_ =	shalt  }
0x5f: {  	_ =	shalt  }
0x60: {  	_ =	shalt  }
0x61: {  	_ =	shalt  }
0x62: {  	_ =	shalt  }
0x63: {  	_ =	shalt  }
0x64: {  	_ =	shalt  }
0x65: {  	_ =	shalt  }
0x66: {  	_ =	shalt  }
0x67: {  	_ =	shalt  }
0x68: {  	_ =	shalt  }
0x69: {  	_ =	shalt  }
0x6a: {  	_ =	shalt  }
0x6b: {  	_ =	shalt  }
0x6c: {  	_ =	shalt  }
0x6d: {  	_ =	shalt  }
0x6e: {  	_ =	shalt  }
0x6f: {  	_ =	shalt  }
0x70: {  	_ =	shalt  }
0x71: {  	_ =	shalt  }
0x72: {  	_ =	shalt  }
0x73: {  	_ =	shalt  }
0x74: {  	_ =	shalt  }
0x75: {  	_ =	shalt  }
0x76: {  	_ =	shalt  }
0x77: {  	_ =	shalt  }
0x78: {  	_ =	shalt  }
0x79: {  	_ =	shalt  }
0x7a: {  	_ =	shalt  }
0x7b: {  	_ =	shalt  }
0x7c: {  	_ =	shalt  }
0x7d: {  	_ =	shalt  }
0x7e: {  	_ =	shalt  }
0x7f: {  	_ =	shalt  }
0x80: {  	_ =	shalt  }
0x81: {  	_ =	shalt  }
0x82: {  	_ =	shalt  }
0x83: {  	_ =	shalt  }
0x84: {  	_ =	shalt  }
0x85: {  	_ =	shalt  }
0x86: {  	_ =	shalt  }
0x87: {  	_ =	shalt  }
.Lfunc_end0:
.L_simem_size_0:
called_computation_lowered:
.L_overlay_start_0:
0x88: {  	s2 =	sld [smem:$0x3FD9]  }
0x89: {  	s3 =	sld [smem:$0x3FFE];
	_ =	sdelay $0x1  }
0x8a: {  	s1 =	srdreg.scid  }
0x8b: {  	s0 =	sand.u32 $0x1, s1  }
0x8c: {  	s17 =	sshll.u32 s0, $0xA;
	s2 =	sadd.s32 s3, s2  }
0x8d: {  	s2 =	sadd.s32 s2, s17  }
0x8e: {  	[smem:$0x3FC4] =	sst s2  }
0x8f: {  	_ = 	snop  }
0x90: {  	s2 =	sld [smem:$0x3FD0];
	(tm) =	ssettm $0x1  }
0x91: {  	s18 =	sld [smem:$0x3FFB];
	_ =	sdelay $0x3  }
0x92: {  	_ =	strace s18  }
0x93: {  	s3 =	sld [smem:$0x3FFC];
	_ =	sdelay $0x3  }
0x94: {  	_ =	strace s3  }
0x95: {  	s3 =	sld [smem:$0x3FFD];
	_ =	sdelay $0x3  }
0x96: {  	_ =	strace s3  }
0x97: {  	_ =	strace $0x8FFFFFFF  }
0x98: {  	s19 =	sld [smem:$0x3FDB];
	_ =	sdelay $0x1  }
0x99: {  	s4 =	simm.s32 $_scs_section_size  }
0x9a: {  	s5 =	simm.s32 $_size__tile_overlayer_lowered;
	s6 =	simm.s32 $_tile_overlayer_lowered  }
0x9b: {  	s22 =	simm.s32 $0x1BFF;
	s21 =	sshll.u32 s6, $0x1;
	s3 =	sadd.s32 s4, s19  }
0x9c: {  	s7 =	simm.s32 $0x0;
	s20 =	sshll.u32 s5, $0x1;
	s5 =	sadd.s32 s21, s3  }
0x9d: {  	[timem:s7], [sflag:s22] =	dma.local [hbm:s5], s20  }
0x9e: {  	_ =	swait.ge [sflag:s22], s20  }
0x9f: {  	s4 =	ssub.s32 $0x0, s20;
	[sflag:s22] =	ssyncset.done $0x0  }
0xa0: {  	[sflag:s22] =	ssyncadd.s32 s4;
	_ =	sdelay $0x1  }
0xa1: {  	s23 =	simm.s32 $0x1B8B  }
0xa2: {  	_ =	swait.ge [sflag:s23], $0x1  }
0xa3: {  	[sflag:s23] =	ssyncset.done $0x0  }
0xa4: {  	s25 =	simm.s32 $0x1B8E;
	s24 =	sld [smem:$0x3FFE];
	[sflag:s23] =	ssyncadd.s32 $0xFFFFFFFF  }
0xa5: {  	s26 =	simm.s32 $execute0_lowered;
	[smem:$0x3FD2] =	sst s25  }
0xa6: {  	s5 =	sshll.u32 s26, $0x1;
	_ =	strace $0x80000046;
	[dreg:$0x1] =	wrdreg $0xFFFFFFFF  }
0xa7: {  	s28 =	simm.s32 $_size_execute0_lowered;
	s3 =	sadd.s32 s3, s5;
	[dreg:$0x0] =	wrdreg $0x0  }
0xa8: {  	s5 =	sshll.u32 s28, $0x1;
	[dreg:$0x2] =	wrdreg s3  }
0xa9: {  	[dreg:$0x3] =	wrdreg s5  }
0xaa: {  	[dreg:$0x4] =	wrdreg $0xC0  }
0xab: {  	_ =	task [dreg:s7], $0x5FFFF  }
0xac: {  	[dreg:$0x1] =	wrdreg $0xFFFFFFFF  }
0xad: {  	[dreg:$0x0] =	wrdreg $0x60  }
0xae: {  	[dreg:$0x2] =	wrdreg s24  }
0xaf: {  	[dreg:$0x3] =	wrdreg s2  }
0xb0: {  	[dreg:$0x4] =	wrdreg $0x9  }
0xb1: {  	_ =	task.clear_ibuf [dreg:s7], $0x5FFFF;
	_ =	strace $0x90000046  }
0xb2: {  	s29 =	simm.s32 $0x9;
	_ =	strace $0x80000048  }
0xb3: {  	_ =	swait.ge [sflag:s29], $0x1  }
0xb4: {  	[sflag:s29] =	ssyncadd.s32 $0xFFFFFFFF  }
0xb5: {  	_ =	strace $0x90000048  }
0xb6: {  	_ =	sfence  }
0xb7: {  	s30 =	sld [smem:$0x0];
	_ =	sdelay $0x2  }
0xb8: {  	s31 =	sshll.u32 s1, $0xD;
	s1 =	sshrl.u32 s1, $0x2  }
0xb9: {  	s3 =	sand.u32 $0x4000, s31;
	s1 =	sadd.s32 s1, s30  }
0xba: {  	s0 =	sor.u32 s3, s0;
	s1 =	sshll.u32 s1, $0x11  }
0xbb: {  	s0 =	sor.u32 s1, s0  }
0xbc: {  	s0 =	sadd.s32 $0x8F2B, s0  }
0xbd: {  	[sflag:s0] =	ssyncadd.remote.s32 $0x1  }
0xbe: {  	_ =	sfence.sel $0xFFFF  }
0xbf: {  	[dreg:$0x0] =	wrdreg $0xFFFFFFFF;
	(pc) =	sbr.abs _section_cstart, $3  }
0xc0: {  	[dreg:$0x1] =	wrdreg $0xFFFFFFFF  }
0xc1: {  	_ =	task.clear_ibuf [dreg:s7], $0x2FFFF;
	_ =	strace $0x9FFFFFFF  }
0xc2: {  	(tm) =	ssettm $0x7FFFFFFF  }
0xc3: {  	_ =	shalt  }
tec
execute0_lowered:
.L_overlay_start_1:
0x0: {  	(tag) =	ssettag $0x1  }
0x1: {  	s3 =	rddreg [dreg:$0x0];
	s1 =	srdreg.scid  }
0x2: {  	s0 =	stileid.u32;
	s5 =	rddreg [dreg:$0x1]  }
0x3: {  	s2 =	simm.s32 $0x0;
	s9 =	simm.s32 $0x280;
	s10 =	simm.s32 $0x2280  }
0x4: {  	s11 =	simm.s32 $0x100;
	s12 =	simm.s32 $0x4280;
	s13 =	simm.s32 $0x180  }
0x5: {  	s14 =	simm.s32 $0x6280;
	s15 =	simm.s32 $0x200;
	s16 =	simm.s32 $0x8280  }
0x6: {  	s17 =	simm.s32 $0x1;
	s18 =	simm.s32 $0xA280;
	s19 =	simm.s32 $0x0  }
0x7: {  	s4 =	sand.u32 $0x1, s1;
	s6 =	sshll.u32 s0, $0x1;
	s1 =	rddreg [dreg:$0x2]  }
0x8: {  	[smem:$0x7FF] =	sst s2;
	s6 =	sor.u32 s4, s6;
	s4 =	ssub.s32 $0x2, s4  }
0x9: {  	s7 =	smul.u32 $0x50, s6;
	s8 =	sshrl.u32 s4, $0x1;
	s6 =	sshll.u32 s6, $0x8  }
0xa: {  	_ =	strace $0x80000047;
	s8 =	ssub.s32 s4, s8;
	s5 =	sadd.s32 s5, s6  }
0xb: {  	s7 =	sadd.s32 s7, s3;
	s3 =	sadd.s32 $0x1000, s3;
	s6 =	smax.u32 s8, $0x1  }
0xc: {  	s8 =	simm.s32 $0x80;
	s4 =	sadd.s32 $0x600, s7;
	s7 =	simm.s32 $0x2  }
.LBB2_1:
0xd: {  	[tilespmem:s2], [sflag:$0x2] =	stream.linear.gather [hbm4b:s4+s2], $0x280, $0x38;
	[tilespmem:$0xAA80] =	vst v63  }
0xe: {  	_ =	swait.ge [sflag:s7], $0x280  }
0xf: {  	[sflag:s7] =	ssyncset.done $0x0  }
0x10: {  	[sflag:s7] =	ssyncadd.s32 $0xFFFFFD80  }
0x11: {  	[tilespmem:s9], [sflag:$0x1] =	stream.indirect.gather [hbm4b:s3+s8], $0x40, s2, s8, $0xb8;
	[tilespmem:$0xAA80] =	vst v63  }
0x12: {  	_ = 	snop  }
0x13: {  	[tilespmem:s10], [sflag:$0x1] =	stream.indirect.gather [hbm4b:s3+s8], $0x40, s8, s8, $0xb8;
	[tilespmem:$0xAA80] =	vst v63  }
0x14: {  	_ = 	snop  }
0x15: {  	[tilespmem:s12], [sflag:$0x1] =	stream.indirect.gather [hbm4b:s3+s8], $0x40, s11, s8, $0xb8;
	[tilespmem:$0xAA80] =	vst v63  }
0x16: {  	_ = 	snop  }
0x17: {  	[tilespmem:s14], [sflag:$0x1] =	stream.indirect.gather [hbm4b:s3+s8], $0x40, s13, s8, $0xb8;
	[tilespmem:$0xAA80] =	vst v63  }
0x18: {  	_ = 	snop  }
0x19: {  	[tilespmem:s16], [sflag:$0x1] =	stream.indirect.gather [hbm4b:s3+s8], $0x40, s15, s8, $0xb8;
	[tilespmem:$0xAA80] =	vst v63  }
0x1a: {  	_ =	swait.ge [sflag:s17], $0x2000  }
0x1b: {  	[sflag:s17] =	ssyncset.done $0x0  }
0x1c: {  	[sflag:s17] =	ssyncadd.s32 $0xFFFFE000  }
0x1d: {  	_ =	swait.ge [sflag:s17], $0x2000  }
0x1e: {  	[sflag:s17] =	ssyncset.done $0x0  }
0x1f: {  	[sflag:s17] =	ssyncadd.s32 $0xFFFFE000  }
0x20: {  	_ =	swait.ge [sflag:s17], $0x2000  }
0x21: {  	[sflag:s17] =	ssyncset.done $0x0  }
0x22: {  	[sflag:s17] =	ssyncadd.s32 $0xFFFFE000  }
0x23: {  	_ =	swait.ge [sflag:s17], $0x2000  }
0x24: {  	[sflag:s17] =	ssyncset.done $0x0  }
0x25: {  	[sflag:s17] =	ssyncadd.s32 $0xFFFFE000  }
0x26: {  	_ =	swait.ge [sflag:s17], $0x2000  }
0x27: {  	[sflag:s17] =	ssyncset.done $0x0  }
0x28: {  	s20 =	simm.s32 $0x500;
	[sflag:s17] =	ssyncadd.s32 $0xFFFFE000  }
0x29: {  	v0 =	vld [tilespmem:s20+$0xFFFFFDC0]  }
0x2a: {  	v1 =	vld [tilespmem:s20+$0xFFFFFD80];
	_ =	sdelay $0x1  }
0x2b: {  	v2 =	vld [tilespmem:s20+$0xFFFFFE00];
	_ =	sdelay $0x1  }
0x2c: {  	v3 =	vld [tilespmem:s20+$0xFFFFFE40]  }
0x2d: {  	v0 =	vadd.f32 v0, v1  }
0x2e: {  	v1 =	vld [tilespmem:s20+$0xFFFFFE80]  }
0x2f: {  	v0 =	vadd.f32 v2, v0  }
0x30: {  	v2 =	vld [tilespmem:s20+$0xFFFFFEC0]  }
0x31: {  	v0 =	vadd.f32 v3, v0  }
0x32: {  	v3 =	vld [tilespmem:s20+$0xFFFFFF00]  }
0x33: {  	v0 =	vadd.f32 v1, v0  }
0x34: {  	v1 =	vld [tilespmem:s20+$0xFFFFFF40]  }
0x35: {  	v0 =	vadd.f32 v2, v0  }
0x36: {  	v2 =	vld [tilespmem:s20+$0xFFFFFF80]  }
0x37: {  	v0 =	vadd.f32 v3, v0  }
0x38: {  	v3 =	vld [tilespmem:s20+$0xFFFFFFC0]  }
0x39: {  	v0 =	vadd.f32 v1, v0  }
0x3a: {  	v1 =	vld [tilespmem:s20+$0x0]  }
0x3b: {  	v0 =	vadd.f32 v2, v0  }
0x3c: {  	v2 =	vld [tilespmem:s20+$0x40]  }
0x3d: {  	v0 =	vadd.f32 v3, v0  }
0x3e: {  	v3 =	vld [tilespmem:s20+$0x80]  }
0x3f: {  	v0 =	vadd.f32 v1, v0  }
0x40: {  	v1 =	vld [tilespmem:s20+$0xC0]  }
0x41: {  	v0 =	vadd.f32 v2, v0  }
0x42: {  	v2 =	vld [tilespmem:s20+$0x100]  }
0x43: {  	v0 =	vadd.f32 v3, v0  }
0x44: {  	v3 =	vld [tilespmem:s20+$0x140]  }
0x45: {  	v0 =	vadd.f32 v1, v0  }
0x46: {  	v1 =	vld [tilespmem:s20+$0x180]  }
0x47: {  	v0 =	vadd.f32 v2, v0  }
0x48: {  	v2 =	vld [tilespmem:s20+$0x1C0]  }
0x49: {  	v0 =	vadd.f32 v3, v0  }
0x4a: {  	v3 =	vld [tilespmem:s20+$0x200]  }
0x4b: {  	v0 =	vadd.f32 v1, v0  }
0x4c: {  	v1 =	vld [tilespmem:s20+$0x240]  }
0x4d: {  	v0 =	vadd.f32 v2, v0;
	_ =	sdelay $0x1  }
0x4e: {  	v0 =	vadd.f32 v3, v0;
	_ =	sdelay $0x1  }
0x4f: {  	v0 =	vadd.f32 v1, v0  }
0x50: {  	s21 =	simm.s32 $0x0  }
0x51: {  	[tilespmem:s21+$0xA280] =	vst v0  }
0x52: {  	v0 =	vld [tilespmem:s20+$0xFFFFFD90]  }
0x53: {  	v1 =	vld [tilespmem:s20+$0xFFFFFDD0];
	_ =	sdelay $0x1  }
0x54: {  	v2 =	vld [tilespmem:s20+$0xFFFFFE10];
	_ =	sdelay $0x1  }
0x55: {  	v3 =	vld [tilespmem:s20+$0xFFFFFE50]  }
0x56: {  	v0 =	vadd.f32 v1, v0  }
0x57: {  	v1 =	vld [tilespmem:s20+$0xFFFFFE90]  }
0x58: {  	v0 =	vadd.f32 v2, v0  }
0x59: {  	v2 =	vld [tilespmem:s20+$0xFFFFFED0]  }
0x5a: {  	v0 =	vadd.f32 v3, v0  }
0x5b: {  	v3 =	vld [tilespmem:s20+$0xFFFFFF10]  }
0x5c: {  	v0 =	vadd.f32 v1, v0  }
0x5d: {  	v1 =	vld [tilespmem:s20+$0xFFFFFF50]  }
0x5e: {  	v0 =	vadd.f32 v2, v0  }
0x5f: {  	v2 =	vld [tilespmem:s20+$0xFFFFFF90]  }
0x60: {  	v0 =	vadd.f32 v3, v0  }
0x61: {  	v3 =	vld [tilespmem:s20+$0xFFFFFFD0]  }
0x62: {  	v0 =	vadd.f32 v1, v0  }
0x63: {  	v1 =	vld [tilespmem:s20+$0x10]  }
0x64: {  	v0 =	vadd.f32 v2, v0  }
0x65: {  	v2 =	vld [tilespmem:s20+$0x50]  }
0x66: {  	v0 =	vadd.f32 v3, v0  }
0x67: {  	v3 =	vld [tilespmem:s20+$0x90]  }
0x68: {  	v0 =	vadd.f32 v1, v0  }
0x69: {  	v1 =	vld [tilespmem:s20+$0xD0]  }
0x6a: {  	v0 =	vadd.f32 v2, v0  }
0x6b: {  	v2 =	vld [tilespmem:s20+$0x110]  }
0x6c: {  	v0 =	vadd.f32 v3, v0  }
0x6d: {  	v3 =	vld [tilespmem:s20+$0x150]  }
0x6e: {  	v0 =	vadd.f32 v1, v0  }
0x6f: {  	v1 =	vld [tilespmem:s20+$0x190]  }
0x70: {  	v0 =	vadd.f32 v2, v0  }
0x71: {  	v2 =	vld [tilespmem:s20+$0x1D0]  }
0x72: {  	v0 =	vadd.f32 v3, v0  }
0x73: {  	v3 =	vld [tilespmem:s20+$0x210]  }
0x74: {  	v0 =	vadd.f32 v1, v0  }
0x75: {  	v1 =	vld [tilespmem:s20+$0x250]  }
0x76: {  	v0 =	vadd.f32 v2, v0;
	_ =	sdelay $0x1  }
0x77: {  	v0 =	vadd.f32 v3, v0;
	_ =	sdelay $0x1  }
0x78: {  	v0 =	vadd.f32 v1, v0;
	_ =	sdelay $0x1  }
0x79: {  	[tilespmem:s21+$0xA290] =	vst v0  }
0x7a: {  	v0 =	vld [tilespmem:s20+$0xFFFFFDA0]  }
0x7b: {  	v1 =	vld [tilespmem:s20+$0xFFFFFDE0];
	_ =	sdelay $0x1  }
0x7c: {  	v2 =	vld [tilespmem:s20+$0xFFFFFE20];
	_ =	sdelay $0x1  }
0x7d: {  	v3 =	vld [tilespmem:s20+$0xFFFFFE60]  }
0x7e: {  	v0 =	vadd.f32 v1, v0  }
0x7f: {  	v1 =	vld [tilespmem:s20+$0xFFFFFEA0]  }
0x80: {  	v0 =	vadd.f32 v2, v0  }
0x81: {  	v2 =	vld [tilespmem:s20+$0xFFFFFEE0]  }
0x82: {  	v0 =	vadd.f32 v3, v0  }
0x83: {  	v3 =	vld [tilespmem:s20+$0xFFFFFF20]  }
0x84: {  	v0 =	vadd.f32 v1, v0  }
0x85: {  	v1 =	vld [tilespmem:s20+$0xFFFFFF60]  }
0x86: {  	v0 =	vadd.f32 v2, v0  }
0x87: {  	v2 =	vld [tilespmem:s20+$0xFFFFFFA0]  }
0x88: {  	v0 =	vadd.f32 v3, v0  }
0x89: {  	v3 =	vld [tilespmem:s20+$0xFFFFFFE0]  }
0x8a: {  	v0 =	vadd.f32 v1, v0  }
0x8b: {  	v1 =	vld [tilespmem:s20+$0x20]  }
0x8c: {  	v0 =	vadd.f32 v2, v0  }
0x8d: {  	v2 =	vld [tilespmem:s20+$0x60]  }
0x8e: {  	v0 =	vadd.f32 v3, v0  }
0x8f: {  	v3 =	vld [tilespmem:s20+$0xA0]  }
0x90: {  	v0 =	vadd.f32 v1, v0  }
0x91: {  	v1 =	vld [tilespmem:s20+$0xE0]  }
0x92: {  	v0 =	vadd.f32 v2, v0  }
0x93: {  	v2 =	vld [tilespmem:s20+$0x120]  }
0x94: {  	v0 =	vadd.f32 v3, v0  }
0x95: {  	v3 =	vld [tilespmem:s20+$0x160]  }
0x96: {  	v0 =	vadd.f32 v1, v0  }
0x97: {  	v1 =	vld [tilespmem:s20+$0x1A0]  }
0x98: {  	v0 =	vadd.f32 v2, v0  }
0x99: {  	v2 =	vld [tilespmem:s20+$0x1E0]  }
0x9a: {  	v0 =	vadd.f32 v3, v0  }
0x9b: {  	v3 =	vld [tilespmem:s20+$0x220]  }
0x9c: {  	v0 =	vadd.f32 v1, v0  }
0x9d: {  	v1 =	vld [tilespmem:s20+$0x260]  }
0x9e: {  	v0 =	vadd.f32 v2, v0;
	_ =	sdelay $0x1  }
0x9f: {  	v0 =	vadd.f32 v3, v0;
	_ =	sdelay $0x1  }
0xa0: {  	v0 =	vadd.f32 v1, v0;
	_ =	sdelay $0x1  }
0xa1: {  	[tilespmem:s21+$0xA2A0] =	vst v0  }
0xa2: {  	v0 =	vld [tilespmem:s20+$0xFFFFFDB0]  }
0xa3: {  	v1 =	vld [tilespmem:s20+$0xFFFFFDF0];
	_ =	sdelay $0x1  }
0xa4: {  	v2 =	vld [tilespmem:s20+$0xFFFFFE30];
	_ =	sdelay $0x1  }
0xa5: {  	v3 =	vld [tilespmem:s20+$0xFFFFFE70]  }
0xa6: {  	v0 =	vadd.f32 v1, v0  }
0xa7: {  	v1 =	vld [tilespmem:s20+$0xFFFFFEB0]  }
0xa8: {  	v0 =	vadd.f32 v2, v0  }
0xa9: {  	v2 =	vld [tilespmem:s20+$0xFFFFFEF0]  }
0xaa: {  	v0 =	vadd.f32 v3, v0  }
0xab: {  	v3 =	vld [tilespmem:s20+$0xFFFFFF30]  }
0xac: {  	v0 =	vadd.f32 v1, v0  }
0xad: {  	v1 =	vld [tilespmem:s20+$0xFFFFFF70]  }
0xae: {  	v0 =	vadd.f32 v2, v0  }
0xaf: {  	v2 =	vld [tilespmem:s20+$0xFFFFFFB0]  }
0xb0: {  	v0 =	vadd.f32 v3, v0  }
0xb1: {  	v3 =	vld [tilespmem:s20+$0xFFFFFFF0]  }
0xb2: {  	v0 =	vadd.f32 v1, v0  }
0xb3: {  	v1 =	vld [tilespmem:s20+$0x30]  }
0xb4: {  	v0 =	vadd.f32 v2, v0  }
0xb5: {  	v2 =	vld [tilespmem:s20+$0x70]  }
0xb6: {  	v0 =	vadd.f32 v3, v0  }
0xb7: {  	v3 =	vld [tilespmem:s20+$0xB0]  }
0xb8: {  	v0 =	vadd.f32 v1, v0  }
0xb9: {  	v1 =	vld [tilespmem:s20+$0xF0]  }
0xba: {  	v0 =	vadd.f32 v2, v0  }
0xbb: {  	v2 =	vld [tilespmem:s20+$0x130]  }
0xbc: {  	v0 =	vadd.f32 v3, v0  }
0xbd: {  	v3 =	vld [tilespmem:s20+$0x170]  }
0xbe: {  	v0 =	vadd.f32 v1, v0  }
0xbf: {  	v1 =	vld [tilespmem:s20+$0x1B0]  }
0xc0: {  	v0 =	vadd.f32 v2, v0;
	_ =	sdelay $0x1  }
0xc1: {  	v2 =	vld [tilespmem:s20+$0x1F0];
	v0 =	vadd.f32 v3, v0;
	_ =	sdelay $0x1  }
0xc2: {  	v3 =	vadd.f32 v1, v0;
	v1 =	vld [tilespmem:s20+$0x230];
	_ =	sdelay $0x1  }
0xc3: {  	v0 =	vld [tilespmem:s20+$0x270]  }
0xc4: {  	s22 =	simm.s32 $0x100;
	v2 =	vadd.f32 v2, v3  }
.LBB2_2:
0xc5: {  	p0 =	sne.s32 s22, $0x1F00  }
0xc6: {  	s20 =	sadd.s32 $0x500, s20;
	s23 =	smov.u32 s22;
	s22 =	sadd.s32 $0x100, s22;
	v1 =	vadd.f32 v1, v2  }
0xc7: {  	_ = 	snop  }
0xc8: {  	v0 =	vadd.f32 v0, v1;
	_ =	sdelay $0x1  }
0xc9: {  	[tilespmem:s21+$0xA2B0] =	vst v0  }
0xca: {  	v0 =	vld [tilespmem:s20+$0xFFFFFDC0]  }
0xcb: {  	v1 =	vld [tilespmem:s20+$0xFFFFFD80];
	_ =	sdelay $0x1  }
0xcc: {  	v2 =	vld [tilespmem:s20+$0xFFFFFE00];
	_ =	sdelay $0x1  }
0xcd: {  	v3 =	vld [tilespmem:s20+$0xFFFFFE40]  }
0xce: {  	v0 =	vadd.f32 v0, v1  }
0xcf: {  	v1 =	vld [tilespmem:s20+$0xFFFFFE80]  }
0xd0: {  	v0 =	vadd.f32 v2, v0  }
0xd1: {  	v2 =	vld [tilespmem:s20+$0xFFFFFEC0]  }
0xd2: {  	v0 =	vadd.f32 v3, v0  }
0xd3: {  	v3 =	vld [tilespmem:s20+$0xFFFFFF00]  }
0xd4: {  	v0 =	vadd.f32 v1, v0  }
0xd5: {  	v1 =	vld [tilespmem:s20+$0xFFFFFF40]  }
0xd6: {  	v0 =	vadd.f32 v2, v0  }
0xd7: {  	v2 =	vld [tilespmem:s20+$0xFFFFFF80]  }
0xd8: {  	v0 =	vadd.f32 v3, v0  }
0xd9: {  	v3 =	vld [tilespmem:s20+$0xFFFFFFC0]  }
0xda: {  	v0 =	vadd.f32 v1, v0  }
0xdb: {  	v1 =	vld [tilespmem:s20+$0x0]  }
0xdc: {  	v0 =	vadd.f32 v2, v0  }
0xdd: {  	v2 =	vld [tilespmem:s20+$0x40]  }
0xde: {  	v0 =	vadd.f32 v3, v0  }
0xdf: {  	v3 =	vld [tilespmem:s20+$0x80]  }
0xe0: {  	v0 =	vadd.f32 v1, v0  }
0xe1: {  	v1 =	vld [tilespmem:s20+$0xC0]  }
0xe2: {  	v0 =	vadd.f32 v2, v0  }
0xe3: {  	v2 =	vld [tilespmem:s20+$0x100]  }
0xe4: {  	v0 =	vadd.f32 v3, v0  }
0xe5: {  	v3 =	vld [tilespmem:s20+$0x140]  }
0xe6: {  	v0 =	vadd.f32 v1, v0  }
0xe7: {  	v1 =	vld [tilespmem:s20+$0x180]  }
0xe8: {  	v0 =	vadd.f32 v2, v0  }
0xe9: {  	v2 =	vld [tilespmem:s20+$0x1C0]  }
0xea: {  	v0 =	vadd.f32 v3, v0  }
0xeb: {  	v3 =	vld [tilespmem:s20+$0x200]  }
0xec: {  	v0 =	vadd.f32 v1, v0  }
0xed: {  	v1 =	vld [tilespmem:s20+$0x240]  }
0xee: {  	v0 =	vadd.f32 v2, v0;
	_ =	sdelay $0x1  }
0xef: {  	v0 =	vadd.f32 v3, v0;
	_ =	sdelay $0x1  }
0xf0: {  	v0 =	vadd.f32 v1, v0  }
0xf1: {  	s21 =	sshra.s32 s23, $0x2  }
0xf2: {  	[tilespmem:s21+$0xA280] =	vst v0  }
0xf3: {  	v0 =	vld [tilespmem:s20+$0xFFFFFD90]  }
0xf4: {  	v1 =	vld [tilespmem:s20+$0xFFFFFDD0];
	_ =	sdelay $0x1  }
0xf5: {  	v2 =	vld [tilespmem:s20+$0xFFFFFE10];
	_ =	sdelay $0x1  }
0xf6: {  	v3 =	vld [tilespmem:s20+$0xFFFFFE50]  }
0xf7: {  	v0 =	vadd.f32 v1, v0  }
0xf8: {  	v1 =	vld [tilespmem:s20+$0xFFFFFE90]  }
0xf9: {  	v0 =	vadd.f32 v2, v0  }
0xfa: {  	v2 =	vld [tilespmem:s20+$0xFFFFFED0]  }
0xfb: {  	v0 =	vadd.f32 v3, v0  }
0xfc: {  	v3 =	vld [tilespmem:s20+$0xFFFFFF10]  }
0xfd: {  	v0 =	vadd.f32 v1, v0  }
0xfe: {  	v1 =	vld [tilespmem:s20+$0xFFFFFF50]  }
0xff: {  	v0 =	vadd.f32 v2, v0  }
0x100: {  	v2 =	vld [tilespmem:s20+$0xFFFFFF90]  }
0x101: {  	v0 =	vadd.f32 v3, v0  }
0x102: {  	v3 =	vld [tilespmem:s20+$0xFFFFFFD0]  }
0x103: {  	v0 =	vadd.f32 v1, v0  }
0x104: {  	v1 =	vld [tilespmem:s20+$0x10]  }
0x105: {  	v0 =	vadd.f32 v2, v0  }
0x106: {  	v2 =	vld [tilespmem:s20+$0x50]  }
0x107: {  	v0 =	vadd.f32 v3, v0  }
0x108: {  	v3 =	vld [tilespmem:s20+$0x90]  }
0x109: {  	v0 =	vadd.f32 v1, v0  }
0x10a: {  	v1 =	vld [tilespmem:s20+$0xD0]  }
0x10b: {  	v0 =	vadd.f32 v2, v0  }
0x10c: {  	v2 =	vld [tilespmem:s20+$0x110]  }
0x10d: {  	v0 =	vadd.f32 v3, v0  }
0x10e: {  	v3 =	vld [tilespmem:s20+$0x150]  }
0x10f: {  	v0 =	vadd.f32 v1, v0  }
0x110: {  	v1 =	vld [tilespmem:s20+$0x190]  }
0x111: {  	v0 =	vadd.f32 v2, v0  }
0x112: {  	v2 =	vld [tilespmem:s20+$0x1D0]  }
0x113: {  	v0 =	vadd.f32 v3, v0  }
0x114: {  	v3 =	vld [tilespmem:s20+$0x210]  }
0x115: {  	v0 =	vadd.f32 v1, v0  }
0x116: {  	v1 =	vld [tilespmem:s20+$0x250]  }
0x117: {  	v0 =	vadd.f32 v2, v0;
	_ =	sdelay $0x1  }
0x118: {  	v0 =	vadd.f32 v3, v0;
	_ =	sdelay $0x1  }
0x119: {  	v0 =	vadd.f32 v1, v0;
	_ =	sdelay $0x1  }
0x11a: {  	[tilespmem:s21+$0xA290] =	vst v0  }
0x11b: {  	v0 =	vld [tilespmem:s20+$0xFFFFFDA0]  }
0x11c: {  	v1 =	vld [tilespmem:s20+$0xFFFFFDE0];
	_ =	sdelay $0x1  }
0x11d: {  	v2 =	vld [tilespmem:s20+$0xFFFFFE20];
	_ =	sdelay $0x1  }
0x11e: {  	v3 =	vld [tilespmem:s20+$0xFFFFFE60]  }
0x11f: {  	v0 =	vadd.f32 v1, v0  }
0x120: {  	v1 =	vld [tilespmem:s20+$0xFFFFFEA0]  }
0x121: {  	v0 =	vadd.f32 v2, v0  }
0x122: {  	v2 =	vld [tilespmem:s20+$0xFFFFFEE0]  }
0x123: {  	v0 =	vadd.f32 v3, v0  }
0x124: {  	v3 =	vld [tilespmem:s20+$0xFFFFFF20]  }
0x125: {  	v0 =	vadd.f32 v1, v0  }
0x126: {  	v1 =	vld [tilespmem:s20+$0xFFFFFF60]  }
0x127: {  	v0 =	vadd.f32 v2, v0  }
0x128: {  	v2 =	vld [tilespmem:s20+$0xFFFFFFA0]  }
0x129: {  	v0 =	vadd.f32 v3, v0  }
0x12a: {  	v3 =	vld [tilespmem:s20+$0xFFFFFFE0]  }
0x12b: {  	v0 =	vadd.f32 v1, v0  }
0x12c: {  	v1 =	vld [tilespmem:s20+$0x20]  }
0x12d: {  	v0 =	vadd.f32 v2, v0  }
0x12e: {  	v2 =	vld [tilespmem:s20+$0x60]  }
0x12f: {  	v0 =	vadd.f32 v3, v0  }
0x130: {  	v3 =	vld [tilespmem:s20+$0xA0]  }
0x131: {  	v0 =	vadd.f32 v1, v0  }
0x132: {  	v1 =	vld [tilespmem:s20+$0xE0]  }
0x133: {  	v0 =	vadd.f32 v2, v0  }
0x134: {  	v2 =	vld [tilespmem:s20+$0x120]  }
0x135: {  	v0 =	vadd.f32 v3, v0  }
0x136: {  	v3 =	vld [tilespmem:s20+$0x160]  }
0x137: {  	v0 =	vadd.f32 v1, v0  }
0x138: {  	v1 =	vld [tilespmem:s20+$0x1A0]  }
0x139: {  	v0 =	vadd.f32 v2, v0  }
0x13a: {  	v2 =	vld [tilespmem:s20+$0x1E0]  }
0x13b: {  	v0 =	vadd.f32 v3, v0  }
0x13c: {  	v3 =	vld [tilespmem:s20+$0x220]  }
0x13d: {  	v0 =	vadd.f32 v1, v0  }
0x13e: {  	v1 =	vld [tilespmem:s20+$0x260]  }
0x13f: {  	v0 =	vadd.f32 v2, v0;
	_ =	sdelay $0x1  }
0x140: {  	v0 =	vadd.f32 v3, v0;
	_ =	sdelay $0x1  }
0x141: {  	v0 =	vadd.f32 v1, v0;
	_ =	sdelay $0x1  }
0x142: {  	[tilespmem:s21+$0xA2A0] =	vst v0  }
0x143: {  	v0 =	vld [tilespmem:s20+$0xFFFFFDB0]  }
0x144: {  	v1 =	vld [tilespmem:s20+$0xFFFFFDF0]  }
0x145: {  	v2 =	vld [tilespmem:s20+$0xFFFFFE30]  }
0x146: {  	v3 =	vld [tilespmem:s20+$0xFFFFFE70]  }
0x147: {  	v4 =	vld [tilespmem:s20+$0xFFFFFEB0]  }
0x148: {  	v5 =	vld [tilespmem:s20+$0xFFFFFEF0]  }
0x149: {  	v0 =	vadd.f32 v1, v0;
	v1 =	vld [tilespmem:s20+$0xFFFFFF30]  }
0x14a: {  	v6 =	vld [tilespmem:s20+$0xFFFFFF70]  }
0x14b: {  	v0 =	vadd.f32 v2, v0;
	v2 =	vld [tilespmem:s20+$0xFFFFFFB0]  }
0x14c: {  	v7 =	vld [tilespmem:s20+$0xFFFFFFF0]  }
0x14d: {  	v0 =	vadd.f32 v3, v0;
	v3 =	vld [tilespmem:s20+$0x30]  }
0x14e: {  	v8 =	vld [tilespmem:s20+$0x70]  }
0x14f: {  	v0 =	vadd.f32 v4, v0;
	v4 =	vld [tilespmem:s20+$0xB0]  }
0x150: {  	v9 =	vld [tilespmem:s20+$0xF0]  }
0x151: {  	v0 =	vadd.f32 v5, v0;
	v5 =	vld [tilespmem:s20+$0x130]  }
0x152: {  	v10 =	vld [tilespmem:s20+$0x170]  }
0x153: {  	v0 =	vadd.f32 v1, v0;
	v11 =	vld [tilespmem:s20+$0x1B0]  }
0x154: {  	v12 =	vld [tilespmem:s20+$0x1F0]  }
0x155: {  	v6 =	vadd.f32 v6, v0;
	v1 =	vld [tilespmem:s20+$0x230]  }
0x156: {  	v0 =	vld [tilespmem:s20+$0x270]  }
0x157: {  	v2 =	vadd.f32 v2, v6;
	_ =	sdelay $0x1  }
0x158: {  	v2 =	vadd.f32 v7, v2;
	_ =	sdelay $0x1  }
0x159: {  	v2 =	vadd.f32 v3, v2;
	_ =	sdelay $0x1  }
0x15a: {  	v2 =	vadd.f32 v8, v2;
	_ =	sdelay $0x1  }
0x15b: {  	v2 =	vadd.f32 v4, v2;
	_ =	sdelay $0x1  }
0x15c: {  	v2 =	vadd.f32 v9, v2;
	_ =	sdelay $0x1  }
0x15d: {  	v2 =	vadd.f32 v5, v2;
	_ =	sdelay $0x1  }
.Ltmp0:
0x15e: {  	v2 =	vadd.f32 v10, v2;
	(pc) =	sbr.rel @p0 .LBB2_2-.Ltmp0, $3  }
0x15f: {  	_ = 	snop  }
0x160: {  	v2 =	vadd.f32 v11, v2;
	_ =	sdelay $0x1  }
0x161: {  	v2 =	vadd.f32 v12, v2  }
0x162: {  	_ = 	snop  }
0x163: {  	v1 =	vadd.f32 v1, v2;
	_ =	sdelay $0x1  }
0x164: {  	s19 =	sadd.s32 $0x1, s19;
	v0 =	vadd.f32 v0, v1  }
0x165: {  	p0 =	sne.s32 s19, s6  }
.Ltmp1:
0x166: {  	[tilespmem:s21+$0xA2B0] =	vst v0;
	(pc) =	sbr.rel @p0 .LBB2_1-.Ltmp1, $4  }
0x167: {  	[hbm4b:s5+s2] =	stream.linear.scatter [tilespmem:s18], [sflag:$0x2], $0x800, $0x38;
	[tilespmem:$0xAA80] =	vst v63  }
0x168: {  	_ =	swait.ge [sflag:s7], $0x800  }
0x169: {  	[sflag:s7] =	ssyncset.done $0x0  }
0x16a: {  	[sflag:s7] =	ssyncadd.s32 $0xFFFFF800  }
0x16b: {  	_ =	sfence.sel $0x180000  }
0x16c: {  	[bflag:$0x0] =	sbarrier.arrive $0xFFFF  }
0x16d: {  	p0 =	sne.s32 s0, $0x0;
	_ =	strace $0x90000047  }
0x16e: {  	s0 =	sadd.s32 @!p0 $0x100000, s1;
	[bflag:$0x2] =	sbarrier.arrive $0xFFFF  }
0x16f: {  	[sflag:s0] =	ssyncadd.tile.s32 @!p0 $0x1;
	_ =	shalt  }
.Lfunc_end2:
_tile_overlayer_lowered:
.L_overlay_start_2:
0x170: {  	(tag) =	ssettag $0x2  }
0x171: {  	s0 =	rddreg [dreg:$0x0];
	s2 =	stileid.u32  }
0x172: {  	s1 =	rddreg [dreg:$0x1];
	p0 =	sne.s32 s2, $0x0  }
0x173: {  	s3 =	rddreg [dreg:$0x2];
	[bflag:$0x3] =	sbarrier.arrive $0xFFFF;
	s2 =	simm.s32 @!p0 $0x1C02  }
0x174: {  	[timem:s3], [sflag:s2] =	dma.local @!p0 [hbm:s0], s1  }
0x175: {  	s0 =	simm.s32 @!p0 $0x2  }
0x176: {  	_ =	swait.ge @!p0 [sflag:s0], s1  }
0x177: {  	s1 =	ssub.s32 @!p0 $0x0, s1;
	[sflag:s0] =	ssyncset.done @!p0 $0x0  }
0x178: {  	[sflag:s0] =	ssyncadd.s32 @!p0 s1  }
0x179: {  	[bflag:$0x3] =	sbarrier.arrive $0xFFFF  }
0x17a: {  	_ =	shalt  }

</sc_bundles>
